<compile_context>
chip_gen: v7x
topology: tpu7x:2x2x1
jax: 0.10.2.dev20260603
libtpu: 0.0.44.dev20260713+nightly
codegen_flags: <defaults>
</compile_context>

<pallas_src>
import functools

import jax
import jax.numpy as jnp
from jax import lax
from jax.experimental import pallas as pl
from jax.experimental.pallas import tpu as pltpu
from jax.experimental.pallas import tpu_sc as plsc

B, R, C = 4, 4096, 2048
ROWS = B * R
NW = 32
BAND = 8


def _take16(v, idx):
    return lax.gather(
        v,
        idx[:, None],
        dimension_numbers=lax.GatherDimensionNumbers(
            offset_dims=(), collapsed_slice_dims=(0,), start_index_map=(0,)),
        slice_sizes=(1,),
        mode=lax.GatherScatterMode.PROMISE_IN_BOUNDS,
    )


def _build_sc(row_lo, nrows, interpret=False):
    rows_w = nrows // NW
    nchunks = rows_w // BAND
    steps = BAND * C // 32

    @functools.partial(
        pl.kernel,
        out_type=jax.ShapeDtypeStruct((nrows, C), jnp.float32),
        mesh=plsc.VectorSubcoreMesh(core_axis_name="c", subcore_axis_name="s"),
        scratch_types=[
            pltpu.VMEM((BAND, C), jnp.float32),
            pltpu.VMEM((BAND, C), jnp.float32),
            pltpu.VMEM((BAND, C), jnp.float32),
            pltpu.VMEM((BAND, C), jnp.float32),
            pltpu.SemaphoreType.DMA,
            pltpu.SemaphoreType.DMA,
            pltpu.SemaphoreType.DMA,
            pltpu.SemaphoreType.DMA,
        ],
        compiler_params=pltpu.CompilerParams(
            needs_layout_passes=False, use_tc_tiling_on_sc=True),
        interpret=interpret,
    )
    def sc_mask48(x_hbm, out_hbm, xin0, xin1, xout0, xout1,
                  si0, si1, so0, so1):
        cid = lax.axis_index("c")
        sid = lax.axis_index("s")
        wid = sid * 2 + cid
        row0 = wid * rows_w
        xin = (xin0, xin1)
        xout = (xout0, xout1)
        sem_in = (si0, si1)
        sem_out = (so0, so1)

        lane = lax.iota(jnp.int32, 16)
        q = lane & 3
        rots = [(lane - q) + ((q + k) & 3) for k in (1, 2, 3)]
        idx_e = lane * 2
        idx_o = idx_e + 1
        zero = jnp.zeros((16,), jnp.float32)
        zeroi = jnp.zeros((16,), jnp.int32)

        def make_step(src, dst):
            def step(j, carry):
                r = j // (C // 32)
                cb = (j % (C // 32)) * 32
                rvec = zeroi + r
                ie = cb + idx_e
                io = cb + idx_o
                a = plsc.load_gather(src, [rvec, ie])
                b = plsc.load_gather(src, [rvec, io])
                sq = a * a + b * b
                c1 = _take16(sq, rots[0]) < sq
                c2 = _take16(sq, rots[1]) < sq
                c3 = _take16(sq, rots[2]) < sq
                keep = (c1 & c2) | (c1 & c3) | (c2 & c3)
                plsc.store_scatter(dst, [rvec, ie], jnp.where(keep, a, zero))
                plsc.store_scatter(dst, [rvec, io], jnp.where(keep, b, zero))
                return carry
            return step

        def in_slice(ci):
            return x_hbm.at[pl.ds(row_lo + row0 + ci * BAND, BAND)]

        def out_slice(ci):
            return out_hbm.at[pl.ds(row0 + ci * BAND, BAND)]

        for b in (0, 1):
            pltpu.async_copy(in_slice(b), xin[b], sem_in[b])

        def chunk_pair(cp, carry):
            for b in (0, 1):
                ci = cp * 2 + b
                pltpu.make_async_copy(in_slice(ci), xin[b], sem_in[b]).wait()
                @pl.when(ci >= 2)
                def _():
                    pltpu.make_async_copy(xout[b], out_slice(ci),
                                          sem_out[b]).wait()
                step_fn = make_step(xin[b], xout[b])
                plsc.parallel_loop(0, steps, 1, unroll=4)(
                    lambda j, fn=step_fn: fn(j, None))
                pltpu.async_copy(xout[b], out_slice(ci), sem_out[b])
                @pl.when(ci + 2 < nchunks)
                def _():
                    pltpu.async_copy(in_slice(ci + 2), xin[b], sem_in[b])
            return carry

        lax.fori_loop(0, nchunks // 2, chunk_pair, 0)

        for b in (0, 1):
            pltpu.make_async_copy(xout[b], out_slice(nchunks - 2 + b),
                                  sem_out[b]).wait()

    return sc_mask48


SPLIT = 12288
_sc_a = _build_sc(0, SPLIT)
_sc_b = _build_sc(SPLIT, ROWS - SPLIT)


def kernel(x):
    x2 = x.reshape(ROWS, C)
    a = _sc_a(x2)
    b = _sc_b(x2)
    return jnp.concatenate([a, b], axis=0).reshape(x.shape)

# --- scband reference (transcript-rebuilt; emitter-appended) ---
"""Pipeline reference for scband-four-eight-masked-quantizer-22471268893170 (READ-ONLY COPY).

The authoritative reference and input builder live on the scoring server;
editing this copy changes nothing except your own understanding.
"""

import jax, jax.numpy as jnp
import numpy as np

P = 2.0

def setup_inputs(seed: int = 0) -> dict:
    key = jax.random.key(seed)
    x = jax.random.normal(key, (4, 4096, 2048), dtype=jnp.float32)
    return {"x": x}

def reference(x):
    shape = x.shape
    xr = x.reshape(-1, 4, 2)
    # p-norm over the last dim (pairs)
    norms = jnp.sum(jnp.abs(xr) ** P, axis=-1) ** (1.0 / P)
    # torch topk(k=2, largest=False) -> two smallest; emulate with top_k of negated norms
    _, idx = jax.lax.top_k(-norms, 2)  # [N, 2]
    rows = jnp.arange(xr.shape[0])[:, None]  # [N, 1] broadcasts against idx [N, 2]
    mask = jnp.ones(xr.shape, dtype=bool)
    mask = mask.at[rows, idx, :].set(False)
    mask = mask.reshape(shape).astype(x.dtype)
    return x * mask

if __name__ == "__main__":
    import jax
    _d = setup_inputs()
    print(jax.jit(kernel)(*tuple(_d.values())))

</pallas_src>

<mosaic_0001>
#map = affine_map<(d0, d1) -> (0, 0)>
module attributes {stable_mosaic.version = 14 : i64} {
  func.func @sc_mask48(%arg0: i32, %arg1: i32, %arg2: memref<16384x2048xf32, #tpu.memory_space<hbm>>, %arg3: memref<4096x2048xf32, #tpu.memory_space<hbm>>, %arg4: memref<8x2048xf32, #tpu.memory_space<vmem>>, %arg5: memref<8x2048xf32, #tpu.memory_space<vmem>>, %arg6: memref<8x2048xf32, #tpu.memory_space<vmem>>, %arg7: memref<8x2048xf32, #tpu.memory_space<vmem>>, %arg8: memref<!tpu.dma_semaphore, #tpu.memory_space<semaphore_mem>>, %arg9: memref<!tpu.dma_semaphore, #tpu.memory_space<semaphore_mem>>, %arg10: memref<!tpu.dma_semaphore, #tpu.memory_space<semaphore_mem>>, %arg11: memref<!tpu.dma_semaphore, #tpu.memory_space<semaphore_mem>>) attributes {dimension_semantics = [#tpu.dimension_semantics<core_parallel>, #tpu.dimension_semantics<subcore_parallel>], iteration_bounds = array<i64: 2, 16>, scalar_prefetch = 0 : i64, scratch_operands = 8 : i64, tpu.core_type = #tpu.core_type<sc_vector_subcore>, window_params = [{transform_indices = #map}, {transform_indices = #map}]} {
    %mul3A = arith.constant 2 : i32
    %mul3A_0 = arith.muli %arg1, %mul3A : i32
    %add3A = arith.addi %mul3A_0, %arg0 : i32
    %mul3A_1 = arith.constant 128 : i32
    %mul3A_2 = arith.muli %add3A, %mul3A_1 : i32
    %iota3A = tpu.iota {dimensions = array<i32: 0>} : vector<16xi32>
    %and3A = arith.constant 3 : i32
    %and3A_3 = vector.broadcast %and3A : i32 to vector<16xi32>
    %and3A_4 = arith.andi %iota3A, %and3A_3 : vector<16xi32>
    %sub3A = arith.subi %iota3A, %and3A_4 : vector<16xi32>
    %add3A_5 = arith.constant 1 : i32
    %add3A_6 = vector.broadcast %add3A_5 : i32 to vector<16xi32>
    %add3A_7 = arith.addi %and3A_4, %add3A_6 : vector<16xi32>
    %and3A_8 = arith.constant 3 : i32
    %and3A_9 = vector.broadcast %and3A_8 : i32 to vector<16xi32>
    %and3A_10 = arith.andi %add3A_7, %and3A_9 : vector<16xi32>
    %add3A_11 = arith.addi %sub3A, %and3A_10 : vector<16xi32>
    %sub3A_12 = arith.subi %iota3A, %and3A_4 : vector<16xi32>
    %add3A_13 = arith.constant 2 : i32
    %add3A_14 = vector.broadcast %add3A_13 : i32 to vector<16xi32>
    %add3A_15 = arith.addi %and3A_4, %add3A_14 : vector<16xi32>
    %and3A_16 = arith.constant 3 : i32
    %and3A_17 = vector.broadcast %and3A_16 : i32 to vector<16xi32>
    %and3A_18 = arith.andi %add3A_15, %and3A_17 : vector<16xi32>
    %add3A_19 = arith.addi %sub3A_12, %and3A_18 : vector<16xi32>
    %sub3A_20 = arith.subi %iota3A, %and3A_4 : vector<16xi32>
    %add3A_21 = arith.constant 3 : i32
    %add3A_22 = vector.broadcast %add3A_21 : i32 to vector<16xi32>
    %add3A_23 = arith.addi %and3A_4, %add3A_22 : vector<16xi32>
    %and3A_24 = arith.constant 3 : i32
    %and3A_25 = vector.broadcast %and3A_24 : i32 to vector<16xi32>
    %and3A_26 = arith.andi %add3A_23, %and3A_25 : vector<16xi32>
    %add3A_27 = arith.addi %sub3A_20, %and3A_26 : vector<16xi32>
    %mul3A_28 = arith.constant 2 : i32
    %mul3A_29 = vector.broadcast %mul3A_28 : i32 to vector<16xi32>
    %mul3A_30 = arith.muli %iota3A, %mul3A_29 : vector<16xi32>
    %add3A_31 = arith.constant 1 : i32
    %add3A_32 = vector.broadcast %add3A_31 : i32 to vector<16xi32>
    %add3A_33 = arith.addi %mul3A_30, %add3A_32 : vector<16xi32>
    %broadcast_in_dim3A = arith.constant 0.000000e+00 : f32
    %broadcast_in_dim3A_34 = vector.broadcast %broadcast_in_dim3A : f32 to vector<16xf32>
    %broadcast_in_dim3A_35 = arith.constant 0 : i32
    %broadcast_in_dim3A_36 = vector.broadcast %broadcast_in_dim3A_35 : i32 to vector<16xi32>
    %add3A_37 = arith.constant 12288 : i32
    %add3A_38 = arith.addi %add3A_37, %mul3A_2 : i32
    %add3A_39 = arith.constant 0 : i32
    %add3A_40 = arith.addi %add3A_38, %add3A_39 : i32
    %dma_start3A = arith.constant 0 : i32
    %dma_start3A_41 = tpu.memref_slice %arg2[%add3A_40, %dma_start3A] : memref<16384x2048xf32, #tpu.memory_space<hbm>> -> memref<8x2048xf32, #tpu.memory_space<hbm>>
    %dma_start3A_42 = arith.constant 0 : i32
    %dma_start3A_43 = tpu.memref_slice %arg2[%add3A_40, %dma_start3A_42] : memref<16384x2048xf32, #tpu.memory_space<hbm>> -> memref<8x2048xf32, #tpu.memory_space<hbm>>
    tpu.enqueue_dma source(%dma_start3A_43 : memref<8x2048xf32, #tpu.memory_space<hbm>>) target(%arg4 : memref<8x2048xf32, #tpu.memory_space<vmem>>) target_semaphore(%arg8 : memref<!tpu.dma_semaphore, #tpu.memory_space<semaphore_mem>>)
    %add3A_44 = arith.constant 12288 : i32
    %add3A_45 = arith.addi %add3A_44, %mul3A_2 : i32
    %add3A_46 = arith.constant 8 : i32
    %add3A_47 = arith.addi %add3A_45, %add3A_46 : i32
    %dma_start3A_48 = arith.constant 0 : i32
    %dma_start3A_49 = tpu.memref_slice %arg2[%add3A_47, %dma_start3A_48] : memref<16384x2048xf32, #tpu.memory_space<hbm>> -> memref<8x2048xf32, #tpu.memory_space<hbm>>
    %dma_start3A_50 = arith.constant 0 : i32
    %dma_start3A_51 = tpu.memref_slice %arg2[%add3A_47, %dma_start3A_50] : memref<16384x2048xf32, #tpu.memory_space<hbm>> -> memref<8x2048xf32, #tpu.memory_space<hbm>>
    tpu.enqueue_dma source(%dma_start3A_51 : memref<8x2048xf32, #tpu.memory_space<hbm>>) target(%arg5 : memref<8x2048xf32, #tpu.memory_space<vmem>>) target_semaphore(%arg9 : memref<!tpu.dma_semaphore, #tpu.memory_space<semaphore_mem>>)
    %scan3A = arith.constant 0 : i32
    %scan3A_52 = arith.constant 0 : i32
    %scan3A_53 = arith.constant 8 : i32
    %scan3A_54 = arith.addi %scan3A_52, %scan3A_53 : i32
    %scan3A_55 = arith.constant 1 : i32
    scf.for %scan3A_68 = %scan3A_52 to %scan3A_54 step %scan3A_55  : i32 {
      %mul3A_69 = arith.constant 2 : i32
      %mul3A_70 = arith.muli %scan3A_68, %mul3A_69 : i32
      %add3A_71 = arith.constant 0 : i32
      %add3A_72 = arith.addi %mul3A_70, %add3A_71 : i32
      %add3A_73 = arith.constant 12288 : i32
      %add3A_74 = arith.addi %add3A_73, %mul3A_2 : i32
      %mul3A_75 = arith.constant 8 : i32
      %mul3A_76 = arith.muli %add3A_72, %mul3A_75 : i32
      %add3A_77 = arith.addi %add3A_74, %mul3A_76 : i32
      %dma_wait3A_78 = arith.constant 0 : i32
      %dma_wait3A_79 = tpu.memref_slice %arg2[%add3A_77, %dma_wait3A_78] : memref<16384x2048xf32, #tpu.memory_space<hbm>> -> memref<8x2048xf32, #tpu.memory_space<hbm>>
      %dma_wait3A_80 = arith.constant 0 : i32
      %dma_wait3A_81 = tpu.memref_slice %arg2[%add3A_77, %dma_wait3A_80] : memref<16384x2048xf32, #tpu.memory_space<hbm>> -> memref<8x2048xf32, #tpu.memory_space<hbm>>
      tpu.wait_dma2 semaphore(%arg8 : memref<!tpu.dma_semaphore, #tpu.memory_space<semaphore_mem>>) src(%dma_wait3A_81 : memref<8x2048xf32, #tpu.memory_space<hbm>>) dst(%arg4 : memref<8x2048xf32, #tpu.memory_space<vmem>>)
      %ge3A = arith.constant 2 : i32
      %ge3A_82 = arith.cmpi sge, %add3A_72, %ge3A : i32
      %convert_element_type3A = arith.extui %ge3A_82 : i1 to i32
      %cond3A = arith.constant 0 : i32
      %cond3A_83 = arith.cmpi ne, %convert_element_type3A, %cond3A : i32
      scf.if %cond3A_83 {
        %mul3A_134 = arith.constant 8 : i32
        %mul3A_135 = arith.muli %add3A_72, %mul3A_134 : i32
        %add3A_136 = arith.addi %mul3A_2, %mul3A_135 : i32
        %dma_wait3A_137 = arith.constant 0 : i32
        %dma_wait3A_138 = tpu.memref_slice %arg3[%add3A_136, %dma_wait3A_137] : memref<4096x2048xf32, #tpu.memory_space<hbm>> -> memref<8x2048xf32, #tpu.memory_space<hbm>>
        %dma_wait3A_139 = arith.constant 0 : i32
        %dma_wait3A_140 = tpu.memref_slice %arg3[%add3A_136, %dma_wait3A_139] : memref<4096x2048xf32, #tpu.memory_space<hbm>> -> memref<8x2048xf32, #tpu.memory_space<hbm>>
        tpu.wait_dma2 semaphore(%arg10 : memref<!tpu.dma_semaphore, #tpu.memory_space<semaphore_mem>>) src(%arg6 : memref<8x2048xf32, #tpu.memory_space<vmem>>) dst(%dma_wait3A_140 : memref<8x2048xf32, #tpu.memory_space<hbm>>)
      } else {
      }
      %parallel_loop3A = arith.constant 0 : i32
      %parallel_loop3A_84 = arith.constant 512 : i32
      %parallel_loop3A_85 = arith.constant 1 : i32
      scf.for %parallel_loop3A_134 = %parallel_loop3A to %parallel_loop3A_84 step %parallel_loop3A_85  : i32 {
        %parallel_loop3A_135 = arith.constant 64 : i32
        %parallel_loop3A_136 = arith.divsi %parallel_loop3A_134, %parallel_loop3A_135 : i32
        %parallel_loop3A_137 = arith.constant 0 : i32
        %parallel_loop3A_138 = arith.cmpi sgt, %parallel_loop3A_134, %parallel_loop3A_137 : i32
        %parallel_loop3A_139 = arith.extui %parallel_loop3A_138 : i1 to i32
        %parallel_loop3A_140 = arith.constant 0 : i32
        %parallel_loop3A_141 = arith.cmpi slt, %parallel_loop3A_134, %parallel_loop3A_140 : i32
        %parallel_loop3A_142 = arith.extui %parallel_loop3A_141 : i1 to i32
        %parallel_loop3A_143 = arith.subi %parallel_loop3A_139, %parallel_loop3A_142 : i32
        %parallel_loop3A_144 = arith.constant 0 : i32
        %parallel_loop3A_145 = arith.cmpi sgt, %parallel_loop3A_135, %parallel_loop3A_144 : i32
        %parallel_loop3A_146 = arith.extui %parallel_loop3A_145 : i1 to i32
        %parallel_loop3A_147 = arith.constant 0 : i32
        %parallel_loop3A_148 = arith.cmpi slt, %parallel_loop3A_135, %parallel_loop3A_147 : i32
        %parallel_loop3A_149 = arith.extui %parallel_loop3A_148 : i1 to i32
        %parallel_loop3A_150 = arith.subi %parallel_loop3A_146, %parallel_loop3A_149 : i32
        %parallel_loop3A_151 = arith.cmpi ne, %parallel_loop3A_143, %parallel_loop3A_150 : i32
        %parallel_loop3A_152 = arith.remsi %parallel_loop3A_134, %parallel_loop3A_135 : i32
        %parallel_loop3A_153 = arith.constant 0 : i32
        %parallel_loop3A_154 = arith.cmpi ne, %parallel_loop3A_152, %parallel_loop3A_153 : i32
        %parallel_loop3A_155 = arith.andi %parallel_loop3A_151, %parallel_loop3A_154 : i1
        %parallel_loop3A_156 = arith.constant 1 : i32
        %parallel_loop3A_157 = arith.subi %parallel_loop3A_136, %parallel_loop3A_156 : i32
        %parallel_loop3A_158 = arith.select %parallel_loop3A_155, %parallel_loop3A_157, %parallel_loop3A_136 : i32
        %parallel_loop3A_159 = arith.constant 64 : i32
        %parallel_loop3A_160 = arith.constant 0 : i32
        %parallel_loop3A_161 = arith.cmpi eq, %parallel_loop3A_159, %parallel_loop3A_160 : i32
        %parallel_loop3A_162 = arith.constant 1 : i32
        %parallel_loop3A_163 = arith.select %parallel_loop3A_161, %parallel_loop3A_162, %parallel_loop3A_159 : i32
        %parallel_loop3A_164 = arith.remsi %parallel_loop3A_134, %parallel_loop3A_163 : i32
        %parallel_loop3A_165 = arith.constant 0 : i32
        %parallel_loop3A_166 = arith.cmpi ne, %parallel_loop3A_164, %parallel_loop3A_165 : i32
        %parallel_loop3A_167 = arith.constant 0 : i32
        %parallel_loop3A_168 = arith.cmpi slt, %parallel_loop3A_164, %parallel_loop3A_167 : i32
        %parallel_loop3A_169 = arith.constant 0 : i32
        %parallel_loop3A_170 = arith.cmpi slt, %parallel_loop3A_163, %parallel_loop3A_169 : i32
        %parallel_loop3A_171 = arith.xori %parallel_loop3A_168, %parallel_loop3A_170 : i1
        %parallel_loop3A_172 = arith.andi %parallel_loop3A_171, %parallel_loop3A_166 : i1
        %parallel_loop3A_173 = arith.addi %parallel_loop3A_164, %parallel_loop3A_163 : i32
        %parallel_loop3A_174 = arith.select %parallel_loop3A_172, %parallel_loop3A_173, %parallel_loop3A_164 : i32
        %parallel_loop3A_175 = arith.constant 32 : i32
        %parallel_loop3A_176 = arith.muli %parallel_loop3A_174, %parallel_loop3A_175 : i32
        %parallel_loop3A_177 = vector.broadcast %parallel_loop3A_158 : i32 to vector<16xi32>
        %parallel_loop3A_178 = arith.addi %broadcast_in_dim3A_36, %parallel_loop3A_177 : vector<16xi32>
        %parallel_loop3A_179 = vector.broadcast %parallel_loop3A_176 : i32 to vector<16xi32>
        %parallel_loop3A_180 = arith.addi %parallel_loop3A_179, %mul3A_30 : vector<16xi32>
        %parallel_loop3A_181 = vector.broadcast %parallel_loop3A_176 : i32 to vector<16xi32>
        %parallel_loop3A_182 = arith.addi %parallel_loop3A_181, %add3A_33 : vector<16xi32>
        %parallel_loop3A_183 = tpu.vector_load_idx %arg4[%parallel_loop3A_178, %parallel_loop3A_180] : memref<8x2048xf32, #tpu.memory_space<vmem>>[vector<16xi32>, vector<16xi32>], vector<16xf32>,
        %parallel_loop3A_184 = tpu.vector_load_idx %arg4[%parallel_loop3A_178, %parallel_loop3A_182] : memref<8x2048xf32, #tpu.memory_space<vmem>>[vector<16xi32>, vector<16xi32>], vector<16xf32>,
        %parallel_loop3A_185 = arith.mulf %parallel_loop3A_183, %parallel_loop3A_183 : vector<16xf32>
        %parallel_loop3A_186 = arith.mulf %parallel_loop3A_184, %parallel_loop3A_184 : vector<16xf32>
        %parallel_loop3A_187 = arith.addf %parallel_loop3A_185, %parallel_loop3A_186 : vector<16xf32>
        %parallel_loop3A_188 = vector.shape_cast %add3A_11 : vector<16xi32> to vector<16x1xi32>
        %parallel_loop3A_189 = vector.shape_cast %parallel_loop3A_188 : vector<16x1xi32> to vector<16xi32>
        %parallel_loop3A_190 = tpu.dynamic_gather %parallel_loop3A_187[%parallel_loop3A_189] in [0] : vector<16xf32>, vector<16xi32> -> vector<16xf32>
        %parallel_loop3A_191 = arith.cmpf olt, %parallel_loop3A_190, %parallel_loop3A_187 : vector<16xf32>
        %parallel_loop3A_192 = vector.shape_cast %add3A_19 : vector<16xi32> to vector<16x1xi32>
        %parallel_loop3A_193 = vector.shape_cast %parallel_loop3A_192 : vector<16x1xi32> to vector<16xi32>
        %parallel_loop3A_194 = tpu.dynamic_gather %parallel_loop3A_187[%parallel_loop3A_193] in [0] : vector<16xf32>, vector<16xi32> -> vector<16xf32>
        %parallel_loop3A_195 = arith.cmpf olt, %parallel_loop3A_194, %parallel_loop3A_187 : vector<16xf32>
        %parallel_loop3A_196 = vector.shape_cast %add3A_27 : vector<16xi32> to vector<16x1xi32>
        %parallel_loop3A_197 = vector.shape_cast %parallel_loop3A_196 : vector<16x1xi32> to vector<16xi32>
        %parallel_loop3A_198 = tpu.dynamic_gather %parallel_loop3A_187[%parallel_loop3A_197] in [0] : vector<16xf32>, vector<16xi32> -> vector<16xf32>
        %parallel_loop3A_199 = arith.cmpf olt, %parallel_loop3A_198, %parallel_loop3A_187 : vector<16xf32>
        %parallel_loop3A_200 = arith.andi %parallel_loop3A_191, %parallel_loop3A_195 : vector<16xi1>
        %parallel_loop3A_201 = arith.andi %parallel_loop3A_191, %parallel_loop3A_199 : vector<16xi1>
        %parallel_loop3A_202 = arith.ori %parallel_loop3A_200, %parallel_loop3A_201 : vector<16xi1>
        %parallel_loop3A_203 = arith.andi %parallel_loop3A_195, %parallel_loop3A_199 : vector<16xi1>
        %parallel_loop3A_204 = arith.ori %parallel_loop3A_202, %parallel_loop3A_203 : vector<16xi1>
        %parallel_loop3A_205 = arith.select %parallel_loop3A_204, %parallel_loop3A_183, %broadcast_in_dim3A_34 : vector<16xi1>, vector<16xf32>
        tpu.vector_store_idx %arg6[%parallel_loop3A_178, %parallel_loop3A_180], %parallel_loop3A_205 : memref<8x2048xf32, #tpu.memory_space<vmem>>[vector<16xi32>, vector<16xi32>], vector<16xf32>,
        %parallel_loop3A_206 = arith.select %parallel_loop3A_204, %parallel_loop3A_184, %broadcast_in_dim3A_34 : vector<16xi1>, vector<16xf32>
        tpu.vector_store_idx %arg6[%parallel_loop3A_178, %parallel_loop3A_182], %parallel_loop3A_206 : memref<8x2048xf32, #tpu.memory_space<vmem>>[vector<16xi32>, vector<16xi32>], vector<16xf32>,
      } {sc.loop_unroll_factor = 4 : i64, sc.parallel_access}
      %mul3A_86 = arith.constant 8 : i32
      %mul3A_87 = arith.muli %add3A_72, %mul3A_86 : i32
      %add3A_88 = arith.addi %mul3A_2, %mul3A_87 : i32
      %dma_start3A_89 = arith.constant 0 : i32
      %dma_start3A_90 = tpu.memref_slice %arg3[%add3A_88, %dma_start3A_89] : memref<4096x2048xf32, #tpu.memory_space<hbm>> -> memref<8x2048xf32, #tpu.memory_space<hbm>>
      %dma_start3A_91 = arith.constant 0 : i32
      %dma_start3A_92 = tpu.memref_slice %arg3[%add3A_88, %dma_start3A_91] : memref<4096x2048xf32, #tpu.memory_space<hbm>> -> memref<8x2048xf32, #tpu.memory_space<hbm>>
      tpu.enqueue_dma source(%arg6 : memref<8x2048xf32, #tpu.memory_space<vmem>>) target(%dma_start3A_92 : memref<8x2048xf32, #tpu.memory_space<hbm>>) target_semaphore(%arg10 : memref<!tpu.dma_semaphore, #tpu.memory_space<semaphore_mem>>)
      %add3A_93 = arith.constant 2 : i32
      %add3A_94 = arith.addi %add3A_72, %add3A_93 : i32
      %lt3A = arith.constant 16 : i32
      %lt3A_95 = arith.cmpi slt, %add3A_94, %lt3A : i32
      %convert_element_type3A_96 = arith.extui %lt3A_95 : i1 to i32
      %cond3A_97 = arith.constant 0 : i32
      %cond3A_98 = arith.cmpi ne, %convert_element_type3A_96, %cond3A_97 : i32
      scf.if %cond3A_98 {
        %add3A_134 = arith.constant 2 : i32
        %add3A_135 = arith.addi %add3A_72, %add3A_134 : i32
        %add3A_136 = arith.constant 12288 : i32
        %add3A_137 = arith.addi %add3A_136, %mul3A_2 : i32
        %mul3A_138 = arith.constant 8 : i32
        %mul3A_139 = arith.muli %add3A_135, %mul3A_138 : i32
        %add3A_140 = arith.addi %add3A_137, %mul3A_139 : i32
        %dma_start3A_141 = arith.constant 0 : i32
        %dma_start3A_142 = tpu.memref_slice %arg2[%add3A_140, %dma_start3A_141] : memref<16384x2048xf32, #tpu.memory_space<hbm>> -> memref<8x2048xf32, #tpu.memory_space<hbm>>
        %dma_start3A_143 = arith.constant 0 : i32
        %dma_start3A_144 = tpu.memref_slice %arg2[%add3A_140, %dma_start3A_143] : memref<16384x2048xf32, #tpu.memory_space<hbm>> -> memref<8x2048xf32, #tpu.memory_space<hbm>>
        tpu.enqueue_dma source(%dma_start3A_144 : memref<8x2048xf32, #tpu.memory_space<hbm>>) target(%arg4 : memref<8x2048xf32, #tpu.memory_space<vmem>>) target_semaphore(%arg8 : memref<!tpu.dma_semaphore, #tpu.memory_space<semaphore_mem>>)
      } else {
      }
      %mul3A_99 = arith.constant 2 : i32
      %mul3A_100 = arith.muli %scan3A_68, %mul3A_99 : i32
      %add3A_101 = arith.constant 1 : i32
      %add3A_102 = arith.addi %mul3A_100, %add3A_101 : i32
      %add3A_103 = arith.constant 12288 : i32
      %add3A_104 = arith.addi %add3A_103, %mul3A_2 : i32
      %mul3A_105 = arith.constant 8 : i32
      %mul3A_106 = arith.muli %add3A_102, %mul3A_105 : i32
      %add3A_107 = arith.addi %add3A_104, %mul3A_106 : i32
      %dma_wait3A_108 = arith.constant 0 : i32
      %dma_wait3A_109 = tpu.memref_slice %arg2[%add3A_107, %dma_wait3A_108] : memref<16384x2048xf32, #tpu.memory_space<hbm>> -> memref<8x2048xf32, #tpu.memory_space<hbm>>
      %dma_wait3A_110 = arith.constant 0 : i32
      %dma_wait3A_111 = tpu.memref_slice %arg2[%add3A_107, %dma_wait3A_110] : memref<16384x2048xf32, #tpu.memory_space<hbm>> -> memref<8x2048xf32, #tpu.memory_space<hbm>>
      tpu.wait_dma2 semaphore(%arg9 : memref<!tpu.dma_semaphore, #tpu.memory_space<semaphore_mem>>) src(%dma_wait3A_111 : memref<8x2048xf32, #tpu.memory_space<hbm>>) dst(%arg5 : memref<8x2048xf32, #tpu.memory_space<vmem>>)
      %ge3A_112 = arith.constant 2 : i32
      %ge3A_113 = arith.cmpi sge, %add3A_102, %ge3A_112 : i32
      %convert_element_type3A_114 = arith.extui %ge3A_113 : i1 to i32
      %cond3A_115 = arith.constant 0 : i32
      %cond3A_116 = arith.cmpi ne, %convert_element_type3A_114, %cond3A_115 : i32
      scf.if %cond3A_116 {
        %mul3A_134 = arith.constant 8 : i32
        %mul3A_135 = arith.muli %add3A_102, %mul3A_134 : i32
        %add3A_136 = arith.addi %mul3A_2, %mul3A_135 : i32
        %dma_wait3A_137 = arith.constant 0 : i32
        %dma_wait3A_138 = tpu.memref_slice %arg3[%add3A_136, %dma_wait3A_137] : memref<4096x2048xf32, #tpu.memory_space<hbm>> -> memref<8x2048xf32, #tpu.memory_space<hbm>>
        %dma_wait3A_139 = arith.constant 0 : i32
        %dma_wait3A_140 = tpu.memref_slice %arg3[%add3A_136, %dma_wait3A_139] : memref<4096x2048xf32, #tpu.memory_space<hbm>> -> memref<8x2048xf32, #tpu.memory_space<hbm>>
        tpu.wait_dma2 semaphore(%arg11 : memref<!tpu.dma_semaphore, #tpu.memory_space<semaphore_mem>>) src(%arg7 : memref<8x2048xf32, #tpu.memory_space<vmem>>) dst(%dma_wait3A_140 : memref<8x2048xf32, #tpu.memory_space<hbm>>)
      } else {
      }
      %parallel_loop3A_117 = arith.constant 0 : i32
      %parallel_loop3A_118 = arith.constant 512 : i32
      %parallel_loop3A_119 = arith.constant 1 : i32
      scf.for %parallel_loop3A_134 = %parallel_loop3A_117 to %parallel_loop3A_118 step %parallel_loop3A_119  : i32 {
        %parallel_loop3A_135 = arith.constant 64 : i32
        %parallel_loop3A_136 = arith.divsi %parallel_loop3A_134, %parallel_loop3A_135 : i32
        %parallel_loop3A_137 = arith.constant 0 : i32
        %parallel_loop3A_138 = arith.cmpi sgt, %parallel_loop3A_134, %parallel_loop3A_137 : i32
        %parallel_loop3A_139 = arith.extui %parallel_loop3A_138 : i1 to i32
        %parallel_loop3A_140 = arith.constant 0 : i32
        %parallel_loop3A_141 = arith.cmpi slt, %parallel_loop3A_134, %parallel_loop3A_140 : i32
        %parallel_loop3A_142 = arith.extui %parallel_loop3A_141 : i1 to i32
        %parallel_loop3A_143 = arith.subi %parallel_loop3A_139, %parallel_loop3A_142 : i32
        %parallel_loop3A_144 = arith.constant 0 : i32
        %parallel_loop3A_145 = arith.cmpi sgt, %parallel_loop3A_135, %parallel_loop3A_144 : i32
        %parallel_loop3A_146 = arith.extui %parallel_loop3A_145 : i1 to i32
        %parallel_loop3A_147 = arith.constant 0 : i32
        %parallel_loop3A_148 = arith.cmpi slt, %parallel_loop3A_135, %parallel_loop3A_147 : i32
        %parallel_loop3A_149 = arith.extui %parallel_loop3A_148 : i1 to i32
        %parallel_loop3A_150 = arith.subi %parallel_loop3A_146, %parallel_loop3A_149 : i32
        %parallel_loop3A_151 = arith.cmpi ne, %parallel_loop3A_143, %parallel_loop3A_150 : i32
        %parallel_loop3A_152 = arith.remsi %parallel_loop3A_134, %parallel_loop3A_135 : i32
        %parallel_loop3A_153 = arith.constant 0 : i32
        %parallel_loop3A_154 = arith.cmpi ne, %parallel_loop3A_152, %parallel_loop3A_153 : i32
        %parallel_loop3A_155 = arith.andi %parallel_loop3A_151, %parallel_loop3A_154 : i1
        %parallel_loop3A_156 = arith.constant 1 : i32
        %parallel_loop3A_157 = arith.subi %parallel_loop3A_136, %parallel_loop3A_156 : i32
        %parallel_loop3A_158 = arith.select %parallel_loop3A_155, %parallel_loop3A_157, %parallel_loop3A_136 : i32
        %parallel_loop3A_159 = arith.constant 64 : i32
        %parallel_loop3A_160 = arith.constant 0 : i32
        %parallel_loop3A_161 = arith.cmpi eq, %parallel_loop3A_159, %parallel_loop3A_160 : i32
        %parallel_loop3A_162 = arith.constant 1 : i32
        %parallel_loop3A_163 = arith.select %parallel_loop3A_161, %parallel_loop3A_162, %parallel_loop3A_159 : i32
        %parallel_loop3A_164 = arith.remsi %parallel_loop3A_134, %parallel_loop3A_163 : i32
        %parallel_loop3A_165 = arith.constant 0 : i32
        %parallel_loop3A_166 = arith.cmpi ne, %parallel_loop3A_164, %parallel_loop3A_165 : i32
        %parallel_loop3A_167 = arith.constant 0 : i32
        %parallel_loop3A_168 = arith.cmpi slt, %parallel_loop3A_164, %parallel_loop3A_167 : i32
        %parallel_loop3A_169 = arith.constant 0 : i32
        %parallel_loop3A_170 = arith.cmpi slt, %parallel_loop3A_163, %parallel_loop3A_169 : i32
        %parallel_loop3A_171 = arith.xori %parallel_loop3A_168, %parallel_loop3A_170 : i1
        %parallel_loop3A_172 = arith.andi %parallel_loop3A_171, %parallel_loop3A_166 : i1
        %parallel_loop3A_173 = arith.addi %parallel_loop3A_164, %parallel_loop3A_163 : i32
        %parallel_loop3A_174 = arith.select %parallel_loop3A_172, %parallel_loop3A_173, %parallel_loop3A_164 : i32
        %parallel_loop3A_175 = arith.constant 32 : i32
        %parallel_loop3A_176 = arith.muli %parallel_loop3A_174, %parallel_loop3A_175 : i32
        %parallel_loop3A_177 = vector.broadcast %parallel_loop3A_158 : i32 to vector<16xi32>
        %parallel_loop3A_178 = arith.addi %broadcast_in_dim3A_36, %parallel_loop3A_177 : vector<16xi32>
        %parallel_loop3A_179 = vector.broadcast %parallel_loop3A_176 : i32 to vector<16xi32>
        %parallel_loop3A_180 = arith.addi %parallel_loop3A_179, %mul3A_30 : vector<16xi32>
        %parallel_loop3A_181 = vector.broadcast %parallel_loop3A_176 : i32 to vector<16xi32>
        %parallel_loop3A_182 = arith.addi %parallel_loop3A_181, %add3A_33 : vector<16xi32>
        %parallel_loop3A_183 = tpu.vector_load_idx %arg5[%parallel_loop3A_178, %parallel_loop3A_180] : memref<8x2048xf32, #tpu.memory_space<vmem>>[vector<16xi32>, vector<16xi32>], vector<16xf32>,
        %parallel_loop3A_184 = tpu.vector_load_idx %arg5[%parallel_loop3A_178, %parallel_loop3A_182] : memref<8x2048xf32, #tpu.memory_space<vmem>>[vector<16xi32>, vector<16xi32>], vector<16xf32>,
        %parallel_loop3A_185 = arith.mulf %parallel_loop3A_183, %parallel_loop3A_183 : vector<16xf32>
        %parallel_loop3A_186 = arith.mulf %parallel_loop3A_184, %parallel_loop3A_184 : vector<16xf32>
        %parallel_loop3A_187 = arith.addf %parallel_loop3A_185, %parallel_loop3A_186 : vector<16xf32>
        %parallel_loop3A_188 = vector.shape_cast %add3A_11 : vector<16xi32> to vector<16x1xi32>
        %parallel_loop3A_189 = vector.shape_cast %parallel_loop3A_188 : vector<16x1xi32> to vector<16xi32>
        %parallel_loop3A_190 = tpu.dynamic_gather %parallel_loop3A_187[%parallel_loop3A_189] in [0] : vector<16xf32>, vector<16xi32> -> vector<16xf32>
        %parallel_loop3A_191 = arith.cmpf olt, %parallel_loop3A_190, %parallel_loop3A_187 : vector<16xf32>
        %parallel_loop3A_192 = vector.shape_cast %add3A_19 : vector<16xi32> to vector<16x1xi32>
        %parallel_loop3A_193 = vector.shape_cast %parallel_loop3A_192 : vector<16x1xi32> to vector<16xi32>
        %parallel_loop3A_194 = tpu.dynamic_gather %parallel_loop3A_187[%parallel_loop3A_193] in [0] : vector<16xf32>, vector<16xi32> -> vector<16xf32>
        %parallel_loop3A_195 = arith.cmpf olt, %parallel_loop3A_194, %parallel_loop3A_187 : vector<16xf32>
        %parallel_loop3A_196 = vector.shape_cast %add3A_27 : vector<16xi32> to vector<16x1xi32>
        %parallel_loop3A_197 = vector.shape_cast %parallel_loop3A_196 : vector<16x1xi32> to vector<16xi32>
        %parallel_loop3A_198 = tpu.dynamic_gather %parallel_loop3A_187[%parallel_loop3A_197] in [0] : vector<16xf32>, vector<16xi32> -> vector<16xf32>
        %parallel_loop3A_199 = arith.cmpf olt, %parallel_loop3A_198, %parallel_loop3A_187 : vector<16xf32>
        %parallel_loop3A_200 = arith.andi %parallel_loop3A_191, %parallel_loop3A_195 : vector<16xi1>
        %parallel_loop3A_201 = arith.andi %parallel_loop3A_191, %parallel_loop3A_199 : vector<16xi1>
        %parallel_loop3A_202 = arith.ori %parallel_loop3A_200, %parallel_loop3A_201 : vector<16xi1>
        %parallel_loop3A_203 = arith.andi %parallel_loop3A_195, %parallel_loop3A_199 : vector<16xi1>
        %parallel_loop3A_204 = arith.ori %parallel_loop3A_202, %parallel_loop3A_203 : vector<16xi1>
        %parallel_loop3A_205 = arith.select %parallel_loop3A_204, %parallel_loop3A_183, %broadcast_in_dim3A_34 : vector<16xi1>, vector<16xf32>
        tpu.vector_store_idx %arg7[%parallel_loop3A_178, %parallel_loop3A_180], %parallel_loop3A_205 : memref<8x2048xf32, #tpu.memory_space<vmem>>[vector<16xi32>, vector<16xi32>], vector<16xf32>,
        %parallel_loop3A_206 = arith.select %parallel_loop3A_204, %parallel_loop3A_184, %broadcast_in_dim3A_34 : vector<16xi1>, vector<16xf32>
        tpu.vector_store_idx %arg7[%parallel_loop3A_178, %parallel_loop3A_182], %parallel_loop3A_206 : memref<8x2048xf32, #tpu.memory_space<vmem>>[vector<16xi32>, vector<16xi32>], vector<16xf32>,
      } {sc.loop_unroll_factor = 4 : i64, sc.parallel_access}
      %mul3A_120 = arith.constant 8 : i32
      %mul3A_121 = arith.muli %add3A_102, %mul3A_120 : i32
      %add3A_122 = arith.addi %mul3A_2, %mul3A_121 : i32
      %dma_start3A_123 = arith.constant 0 : i32
      %dma_start3A_124 = tpu.memref_slice %arg3[%add3A_122, %dma_start3A_123] : memref<4096x2048xf32, #tpu.memory_space<hbm>> -> memref<8x2048xf32, #tpu.memory_space<hbm>>
      %dma_start3A_125 = arith.constant 0 : i32
      %dma_start3A_126 = tpu.memref_slice %arg3[%add3A_122, %dma_start3A_125] : memref<4096x2048xf32, #tpu.memory_space<hbm>> -> memref<8x2048xf32, #tpu.memory_space<hbm>>
      tpu.enqueue_dma source(%arg7 : memref<8x2048xf32, #tpu.memory_space<vmem>>) target(%dma_start3A_126 : memref<8x2048xf32, #tpu.memory_space<hbm>>) target_semaphore(%arg11 : memref<!tpu.dma_semaphore, #tpu.memory_space<semaphore_mem>>)
      %add3A_127 = arith.constant 2 : i32
      %add3A_128 = arith.addi %add3A_102, %add3A_127 : i32
      %lt3A_129 = arith.constant 16 : i32
      %lt3A_130 = arith.cmpi slt, %add3A_128, %lt3A_129 : i32
      %convert_element_type3A_131 = arith.extui %lt3A_130 : i1 to i32
      %cond3A_132 = arith.constant 0 : i32
      %cond3A_133 = arith.cmpi ne, %convert_element_type3A_131, %cond3A_132 : i32
      scf.if %cond3A_133 {
        %add3A_134 = arith.constant 2 : i32
        %add3A_135 = arith.addi %add3A_102, %add3A_134 : i32
        %add3A_136 = arith.constant 12288 : i32
        %add3A_137 = arith.addi %add3A_136, %mul3A_2 : i32
        %mul3A_138 = arith.constant 8 : i32
        %mul3A_139 = arith.muli %add3A_135, %mul3A_138 : i32
        %add3A_140 = arith.addi %add3A_137, %mul3A_139 : i32
        %dma_start3A_141 = arith.constant 0 : i32
        %dma_start3A_142 = tpu.memref_slice %arg2[%add3A_140, %dma_start3A_141] : memref<16384x2048xf32, #tpu.memory_space<hbm>> -> memref<8x2048xf32, #tpu.memory_space<hbm>>
        %dma_start3A_143 = arith.constant 0 : i32
        %dma_start3A_144 = tpu.memref_slice %arg2[%add3A_140, %dma_start3A_143] : memref<16384x2048xf32, #tpu.memory_space<hbm>> -> memref<8x2048xf32, #tpu.memory_space<hbm>>
        tpu.enqueue_dma source(%dma_start3A_144 : memref<8x2048xf32, #tpu.memory_space<hbm>>) target(%arg5 : memref<8x2048xf32, #tpu.memory_space<vmem>>) target_semaphore(%arg9 : memref<!tpu.dma_semaphore, #tpu.memory_space<semaphore_mem>>)
      } else {
      }
    }
    %scan3A_56 = arith.constant 8 : i32
    %add3A_57 = arith.constant 112 : i32
    %add3A_58 = arith.addi %mul3A_2, %add3A_57 : i32
    %dma_wait3A = arith.constant 0 : i32
    %dma_wait3A_59 = tpu.memref_slice %arg3[%add3A_58, %dma_wait3A] : memref<4096x2048xf32, #tpu.memory_space<hbm>> -> memref<8x2048xf32, #tpu.memory_space<hbm>>
    %dma_wait3A_60 = arith.constant 0 : i32
    %dma_wait3A_61 = tpu.memref_slice %arg3[%add3A_58, %dma_wait3A_60] : memref<4096x2048xf32, #tpu.memory_space<hbm>> -> memref<8x2048xf32, #tpu.memory_space<hbm>>
    tpu.wait_dma2 semaphore(%arg10 : memref<!tpu.dma_semaphore, #tpu.memory_space<semaphore_mem>>) src(%arg6 : memref<8x2048xf32, #tpu.memory_space<vmem>>) dst(%dma_wait3A_61 : memref<8x2048xf32, #tpu.memory_space<hbm>>)
    %add3A_62 = arith.constant 120 : i32
    %add3A_63 = arith.addi %mul3A_2, %add3A_62 : i32
    %dma_wait3A_64 = arith.constant 0 : i32
    %dma_wait3A_65 = tpu.memref_slice %arg3[%add3A_63, %dma_wait3A_64] : memref<4096x2048xf32, #tpu.memory_space<hbm>> -> memref<8x2048xf32, #tpu.memory_space<hbm>>
    %dma_wait3A_66 = arith.constant 0 : i32
    %dma_wait3A_67 = tpu.memref_slice %arg3[%add3A_63, %dma_wait3A_66] : memref<4096x2048xf32, #tpu.memory_space<hbm>> -> memref<8x2048xf32, #tpu.memory_space<hbm>>
    tpu.wait_dma2 semaphore(%arg11 : memref<!tpu.dma_semaphore, #tpu.memory_space<semaphore_mem>>) src(%arg7 : memref<8x2048xf32, #tpu.memory_space<vmem>>) dst(%dma_wait3A_67 : memref<8x2048xf32, #tpu.memory_space<hbm>>)
    return
  }
}

#map = affine_map<(d0, d1) -> (0, 0)>
module attributes {stable_mosaic.version = 14 : i64} {
  func.func @sc_mask48(%arg0: i32, %arg1: i32, %arg2: memref<16384x2048xf32, #tpu.memory_space<hbm>>, %arg3: memref<12288x2048xf32, #tpu.memory_space<hbm>>, %arg4: memref<8x2048xf32, #tpu.memory_space<vmem>>, %arg5: memref<8x2048xf32, #tpu.memory_space<vmem>>, %arg6: memref<8x2048xf32, #tpu.memory_space<vmem>>, %arg7: memref<8x2048xf32, #tpu.memory_space<vmem>>, %arg8: memref<!tpu.dma_semaphore, #tpu.memory_space<semaphore_mem>>, %arg9: memref<!tpu.dma_semaphore, #tpu.memory_space<semaphore_mem>>, %arg10: memref<!tpu.dma_semaphore, #tpu.memory_space<semaphore_mem>>, %arg11: memref<!tpu.dma_semaphore, #tpu.memory_space<semaphore_mem>>) attributes {dimension_semantics = [#tpu.dimension_semantics<core_parallel>, #tpu.dimension_semantics<subcore_parallel>], iteration_bounds = array<i64: 2, 16>, scalar_prefetch = 0 : i64, scratch_operands = 8 : i64, tpu.core_type = #tpu.core_type<sc_vector_subcore>, window_params = [{transform_indices = #map}, {transform_indices = #map}]} {
    %mul3A = arith.constant 2 : i32
    %mul3A_0 = arith.muli %arg1, %mul3A : i32
    %add3A = arith.addi %mul3A_0, %arg0 : i32
    %mul3A_1 = arith.constant 384 : i32
    %mul3A_2 = arith.muli %add3A, %mul3A_1 : i32
    %iota3A = tpu.iota {dimensions = array<i32: 0>} : vector<16xi32>
    %and3A = arith.constant 3 : i32
    %and3A_3 = vector.broadcast %and3A : i32 to vector<16xi32>
    %and3A_4 = arith.andi %iota3A, %and3A_3 : vector<16xi32>
    %sub3A = arith.subi %iota3A, %and3A_4 : vector<16xi32>
    %add3A_5 = arith.constant 1 : i32
    %add3A_6 = vector.broadcast %add3A_5 : i32 to vector<16xi32>
    %add3A_7 = arith.addi %and3A_4, %add3A_6 : vector<16xi32>
    %and3A_8 = arith.constant 3 : i32
    %and3A_9 = vector.broadcast %and3A_8 : i32 to vector<16xi32>
    %and3A_10 = arith.andi %add3A_7, %and3A_9 : vector<16xi32>
    %add3A_11 = arith.addi %sub3A, %and3A_10 : vector<16xi32>
    %sub3A_12 = arith.subi %iota3A, %and3A_4 : vector<16xi32>
    %add3A_13 = arith.constant 2 : i32
    %add3A_14 = vector.broadcast %add3A_13 : i32 to vector<16xi32>
    %add3A_15 = arith.addi %and3A_4, %add3A_14 : vector<16xi32>
    %and3A_16 = arith.constant 3 : i32
    %and3A_17 = vector.broadcast %and3A_16 : i32 to vector<16xi32>
    %and3A_18 = arith.andi %add3A_15, %and3A_17 : vector<16xi32>
    %add3A_19 = arith.addi %sub3A_12, %and3A_18 : vector<16xi32>
    %sub3A_20 = arith.subi %iota3A, %and3A_4 : vector<16xi32>
    %add3A_21 = arith.constant 3 : i32
    %add3A_22 = vector.broadcast %add3A_21 : i32 to vector<16xi32>
    %add3A_23 = arith.addi %and3A_4, %add3A_22 : vector<16xi32>
    %and3A_24 = arith.constant 3 : i32
    %and3A_25 = vector.broadcast %and3A_24 : i32 to vector<16xi32>
    %and3A_26 = arith.andi %add3A_23, %and3A_25 : vector<16xi32>
    %add3A_27 = arith.addi %sub3A_20, %and3A_26 : vector<16xi32>
    %mul3A_28 = arith.constant 2 : i32
    %mul3A_29 = vector.broadcast %mul3A_28 : i32 to vector<16xi32>
    %mul3A_30 = arith.muli %iota3A, %mul3A_29 : vector<16xi32>
    %add3A_31 = arith.constant 1 : i32
    %add3A_32 = vector.broadcast %add3A_31 : i32 to vector<16xi32>
    %add3A_33 = arith.addi %mul3A_30, %add3A_32 : vector<16xi32>
    %broadcast_in_dim3A = arith.constant 0.000000e+00 : f32
    %broadcast_in_dim3A_34 = vector.broadcast %broadcast_in_dim3A : f32 to vector<16xf32>
    %broadcast_in_dim3A_35 = arith.constant 0 : i32
    %broadcast_in_dim3A_36 = vector.broadcast %broadcast_in_dim3A_35 : i32 to vector<16xi32>
    %add3A_37 = arith.constant 0 : i32
    %add3A_38 = arith.addi %add3A_37, %mul3A_2 : i32
    %add3A_39 = arith.constant 0 : i32
    %add3A_40 = arith.addi %add3A_38, %add3A_39 : i32
    %dma_start3A = arith.constant 0 : i32
    %dma_start3A_41 = tpu.memref_slice %arg2[%add3A_40, %dma_start3A] : memref<16384x2048xf32, #tpu.memory_space<hbm>> -> memref<8x2048xf32, #tpu.memory_space<hbm>>
    %dma_start3A_42 = arith.constant 0 : i32
    %dma_start3A_43 = tpu.memref_slice %arg2[%add3A_40, %dma_start3A_42] : memref<16384x2048xf32, #tpu.memory_space<hbm>> -> memref<8x2048xf32, #tpu.memory_space<hbm>>
    tpu.enqueue_dma source(%dma_start3A_43 : memref<8x2048xf32, #tpu.memory_space<hbm>>) target(%arg4 : memref<8x2048xf32, #tpu.memory_space<vmem>>) target_semaphore(%arg8 : memref<!tpu.dma_semaphore, #tpu.memory_space<semaphore_mem>>)
    %add3A_44 = arith.constant 0 : i32
    %add3A_45 = arith.addi %add3A_44, %mul3A_2 : i32
    %add3A_46 = arith.constant 8 : i32
    %add3A_47 = arith.addi %add3A_45, %add3A_46 : i32
    %dma_start3A_48 = arith.constant 0 : i32
    %dma_start3A_49 = tpu.memref_slice %arg2[%add3A_47, %dma_start3A_48] : memref<16384x2048xf32, #tpu.memory_space<hbm>> -> memref<8x2048xf32, #tpu.memory_space<hbm>>
    %dma_start3A_50 = arith.constant 0 : i32
    %dma_start3A_51 = tpu.memref_slice %arg2[%add3A_47, %dma_start3A_50] : memref<16384x2048xf32, #tpu.memory_space<hbm>> -> memref<8x2048xf32, #tpu.memory_space<hbm>>
    tpu.enqueue_dma source(%dma_start3A_51 : memref<8x2048xf32, #tpu.memory_space<hbm>>) target(%arg5 : memref<8x2048xf32, #tpu.memory_space<vmem>>) target_semaphore(%arg9 : memref<!tpu.dma_semaphore, #tpu.memory_space<semaphore_mem>>)
    %scan3A = arith.constant 0 : i32
    %scan3A_52 = arith.constant 0 : i32
    %scan3A_53 = arith.constant 24 : i32
    %scan3A_54 = arith.addi %scan3A_52, %scan3A_53 : i32
    %scan3A_55 = arith.constant 1 : i32
    scf.for %scan3A_68 = %scan3A_52 to %scan3A_54 step %scan3A_55  : i32 {
      %mul3A_69 = arith.constant 2 : i32
      %mul3A_70 = arith.muli %scan3A_68, %mul3A_69 : i32
      %add3A_71 = arith.constant 0 : i32
      %add3A_72 = arith.addi %mul3A_70, %add3A_71 : i32
      %add3A_73 = arith.constant 0 : i32
      %add3A_74 = arith.addi %add3A_73, %mul3A_2 : i32
      %mul3A_75 = arith.constant 8 : i32
      %mul3A_76 = arith.muli %add3A_72, %mul3A_75 : i32
      %add3A_77 = arith.addi %add3A_74, %mul3A_76 : i32
      %dma_wait3A_78 = arith.constant 0 : i32
      %dma_wait3A_79 = tpu.memref_slice %arg2[%add3A_77, %dma_wait3A_78] : memref<16384x2048xf32, #tpu.memory_space<hbm>> -> memref<8x2048xf32, #tpu.memory_space<hbm>>
      %dma_wait3A_80 = arith.constant 0 : i32
      %dma_wait3A_81 = tpu.memref_slice %arg2[%add3A_77, %dma_wait3A_80] : memref<16384x2048xf32, #tpu.memory_space<hbm>> -> memref<8x2048xf32, #tpu.memory_space<hbm>>
      tpu.wait_dma2 semaphore(%arg8 : memref<!tpu.dma_semaphore, #tpu.memory_space<semaphore_mem>>) src(%dma_wait3A_81 : memref<8x2048xf32, #tpu.memory_space<hbm>>) dst(%arg4 : memref<8x2048xf32, #tpu.memory_space<vmem>>)
      %ge3A = arith.constant 2 : i32
      %ge3A_82 = arith.cmpi sge, %add3A_72, %ge3A : i32
      %convert_element_type3A = arith.extui %ge3A_82 : i1 to i32
      %cond3A = arith.constant 0 : i32
      %cond3A_83 = arith.cmpi ne, %convert_element_type3A, %cond3A : i32
      scf.if %cond3A_83 {
        %mul3A_134 = arith.constant 8 : i32
        %mul3A_135 = arith.muli %add3A_72, %mul3A_134 : i32
        %add3A_136 = arith.addi %mul3A_2, %mul3A_135 : i32
        %dma_wait3A_137 = arith.constant 0 : i32
        %dma_wait3A_138 = tpu.memref_slice %arg3[%add3A_136, %dma_wait3A_137] : memref<12288x2048xf32, #tpu.memory_space<hbm>> -> memref<8x2048xf32, #tpu.memory_space<hbm>>
        %dma_wait3A_139 = arith.constant 0 : i32
        %dma_wait3A_140 = tpu.memref_slice %arg3[%add3A_136, %dma_wait3A_139] : memref<12288x2048xf32, #tpu.memory_space<hbm>> -> memref<8x2048xf32, #tpu.memory_space<hbm>>
        tpu.wait_dma2 semaphore(%arg10 : memref<!tpu.dma_semaphore, #tpu.memory_space<semaphore_mem>>) src(%arg6 : memref<8x2048xf32, #tpu.memory_space<vmem>>) dst(%dma_wait3A_140 : memref<8x2048xf32, #tpu.memory_space<hbm>>)
      } else {
      }
      %parallel_loop3A = arith.constant 0 : i32
      %parallel_loop3A_84 = arith.constant 512 : i32
      %parallel_loop3A_85 = arith.constant 1 : i32
      scf.for %parallel_loop3A_134 = %parallel_loop3A to %parallel_loop3A_84 step %parallel_loop3A_85  : i32 {
        %parallel_loop3A_135 = arith.constant 64 : i32
        %parallel_loop3A_136 = arith.divsi %parallel_loop3A_134, %parallel_loop3A_135 : i32
        %parallel_loop3A_137 = arith.constant 0 : i32
        %parallel_loop3A_138 = arith.cmpi sgt, %parallel_loop3A_134, %parallel_loop3A_137 : i32
        %parallel_loop3A_139 = arith.extui %parallel_loop3A_138 : i1 to i32
        %parallel_loop3A_140 = arith.constant 0 : i32
        %parallel_loop3A_141 = arith.cmpi slt, %parallel_loop3A_134, %parallel_loop3A_140 : i32
        %parallel_loop3A_142 = arith.extui %parallel_loop3A_141 : i1 to i32
        %parallel_loop3A_143 = arith.subi %parallel_loop3A_139, %parallel_loop3A_142 : i32
        %parallel_loop3A_144 = arith.constant 0 : i32
        %parallel_loop3A_145 = arith.cmpi sgt, %parallel_loop3A_135, %parallel_loop3A_144 : i32
        %parallel_loop3A_146 = arith.extui %parallel_loop3A_145 : i1 to i32
        %parallel_loop3A_147 = arith.constant 0 : i32
        %parallel_loop3A_148 = arith.cmpi slt, %parallel_loop3A_135, %parallel_loop3A_147 : i32
        %parallel_loop3A_149 = arith.extui %parallel_loop3A_148 : i1 to i32
        %parallel_loop3A_150 = arith.subi %parallel_loop3A_146, %parallel_loop3A_149 : i32
        %parallel_loop3A_151 = arith.cmpi ne, %parallel_loop3A_143, %parallel_loop3A_150 : i32
        %parallel_loop3A_152 = arith.remsi %parallel_loop3A_134, %parallel_loop3A_135 : i32
        %parallel_loop3A_153 = arith.constant 0 : i32
        %parallel_loop3A_154 = arith.cmpi ne, %parallel_loop3A_152, %parallel_loop3A_153 : i32
        %parallel_loop3A_155 = arith.andi %parallel_loop3A_151, %parallel_loop3A_154 : i1
        %parallel_loop3A_156 = arith.constant 1 : i32
        %parallel_loop3A_157 = arith.subi %parallel_loop3A_136, %parallel_loop3A_156 : i32
        %parallel_loop3A_158 = arith.select %parallel_loop3A_155, %parallel_loop3A_157, %parallel_loop3A_136 : i32
        %parallel_loop3A_159 = arith.constant 64 : i32
        %parallel_loop3A_160 = arith.constant 0 : i32
        %parallel_loop3A_161 = arith.cmpi eq, %parallel_loop3A_159, %parallel_loop3A_160 : i32
        %parallel_loop3A_162 = arith.constant 1 : i32
        %parallel_loop3A_163 = arith.select %parallel_loop3A_161, %parallel_loop3A_162, %parallel_loop3A_159 : i32
        %parallel_loop3A_164 = arith.remsi %parallel_loop3A_134, %parallel_loop3A_163 : i32
        %parallel_loop3A_165 = arith.constant 0 : i32
        %parallel_loop3A_166 = arith.cmpi ne, %parallel_loop3A_164, %parallel_loop3A_165 : i32
        %parallel_loop3A_167 = arith.constant 0 : i32
        %parallel_loop3A_168 = arith.cmpi slt, %parallel_loop3A_164, %parallel_loop3A_167 : i32
        %parallel_loop3A_169 = arith.constant 0 : i32
        %parallel_loop3A_170 = arith.cmpi slt, %parallel_loop3A_163, %parallel_loop3A_169 : i32
        %parallel_loop3A_171 = arith.xori %parallel_loop3A_168, %parallel_loop3A_170 : i1
        %parallel_loop3A_172 = arith.andi %parallel_loop3A_171, %parallel_loop3A_166 : i1
        %parallel_loop3A_173 = arith.addi %parallel_loop3A_164, %parallel_loop3A_163 : i32
        %parallel_loop3A_174 = arith.select %parallel_loop3A_172, %parallel_loop3A_173, %parallel_loop3A_164 : i32
        %parallel_loop3A_175 = arith.constant 32 : i32
        %parallel_loop3A_176 = arith.muli %parallel_loop3A_174, %parallel_loop3A_175 : i32
        %parallel_loop3A_177 = vector.broadcast %parallel_loop3A_158 : i32 to vector<16xi32>
        %parallel_loop3A_178 = arith.addi %broadcast_in_dim3A_36, %parallel_loop3A_177 : vector<16xi32>
        %parallel_loop3A_179 = vector.broadcast %parallel_loop3A_176 : i32 to vector<16xi32>
        %parallel_loop3A_180 = arith.addi %parallel_loop3A_179, %mul3A_30 : vector<16xi32>
        %parallel_loop3A_181 = vector.broadcast %parallel_loop3A_176 : i32 to vector<16xi32>
        %parallel_loop3A_182 = arith.addi %parallel_loop3A_181, %add3A_33 : vector<16xi32>
        %parallel_loop3A_183 = tpu.vector_load_idx %arg4[%parallel_loop3A_178, %parallel_loop3A_180] : memref<8x2048xf32, #tpu.memory_space<vmem>>[vector<16xi32>, vector<16xi32>], vector<16xf32>,
        %parallel_loop3A_184 = tpu.vector_load_idx %arg4[%parallel_loop3A_178, %parallel_loop3A_182] : memref<8x2048xf32, #tpu.memory_space<vmem>>[vector<16xi32>, vector<16xi32>], vector<16xf32>,
        %parallel_loop3A_185 = arith.mulf %parallel_loop3A_183, %parallel_loop3A_183 : vector<16xf32>
        %parallel_loop3A_186 = arith.mulf %parallel_loop3A_184, %parallel_loop3A_184 : vector<16xf32>
        %parallel_loop3A_187 = arith.addf %parallel_loop3A_185, %parallel_loop3A_186 : vector<16xf32>
        %parallel_loop3A_188 = vector.shape_cast %add3A_11 : vector<16xi32> to vector<16x1xi32>
        %parallel_loop3A_189 = vector.shape_cast %parallel_loop3A_188 : vector<16x1xi32> to vector<16xi32>
        %parallel_loop3A_190 = tpu.dynamic_gather %parallel_loop3A_187[%parallel_loop3A_189] in [0] : vector<16xf32>, vector<16xi32> -> vector<16xf32>
        %parallel_loop3A_191 = arith.cmpf olt, %parallel_loop3A_190, %parallel_loop3A_187 : vector<16xf32>
        %parallel_loop3A_192 = vector.shape_cast %add3A_19 : vector<16xi32> to vector<16x1xi32>
        %parallel_loop3A_193 = vector.shape_cast %parallel_loop3A_192 : vector<16x1xi32> to vector<16xi32>
        %parallel_loop3A_194 = tpu.dynamic_gather %parallel_loop3A_187[%parallel_loop3A_193] in [0] : vector<16xf32>, vector<16xi32> -> vector<16xf32>
        %parallel_loop3A_195 = arith.cmpf olt, %parallel_loop3A_194, %parallel_loop3A_187 : vector<16xf32>
        %parallel_loop3A_196 = vector.shape_cast %add3A_27 : vector<16xi32> to vector<16x1xi32>
        %parallel_loop3A_197 = vector.shape_cast %parallel_loop3A_196 : vector<16x1xi32> to vector<16xi32>
        %parallel_loop3A_198 = tpu.dynamic_gather %parallel_loop3A_187[%parallel_loop3A_197] in [0] : vector<16xf32>, vector<16xi32> -> vector<16xf32>
        %parallel_loop3A_199 = arith.cmpf olt, %parallel_loop3A_198, %parallel_loop3A_187 : vector<16xf32>
        %parallel_loop3A_200 = arith.andi %parallel_loop3A_191, %parallel_loop3A_195 : vector<16xi1>
        %parallel_loop3A_201 = arith.andi %parallel_loop3A_191, %parallel_loop3A_199 : vector<16xi1>
        %parallel_loop3A_202 = arith.ori %parallel_loop3A_200, %parallel_loop3A_201 : vector<16xi1>
        %parallel_loop3A_203 = arith.andi %parallel_loop3A_195, %parallel_loop3A_199 : vector<16xi1>
        %parallel_loop3A_204 = arith.ori %parallel_loop3A_202, %parallel_loop3A_203 : vector<16xi1>
        %parallel_loop3A_205 = arith.select %parallel_loop3A_204, %parallel_loop3A_183, %broadcast_in_dim3A_34 : vector<16xi1>, vector<16xf32>
        tpu.vector_store_idx %arg6[%parallel_loop3A_178, %parallel_loop3A_180], %parallel_loop3A_205 : memref<8x2048xf32, #tpu.memory_space<vmem>>[vector<16xi32>, vector<16xi32>], vector<16xf32>,
        %parallel_loop3A_206 = arith.select %parallel_loop3A_204, %parallel_loop3A_184, %broadcast_in_dim3A_34 : vector<16xi1>, vector<16xf32>
        tpu.vector_store_idx %arg6[%parallel_loop3A_178, %parallel_loop3A_182], %parallel_loop3A_206 : memref<8x2048xf32, #tpu.memory_space<vmem>>[vector<16xi32>, vector<16xi32>], vector<16xf32>,
      } {sc.loop_unroll_factor = 4 : i64, sc.parallel_access}
      %mul3A_86 = arith.constant 8 : i32
      %mul3A_87 = arith.muli %add3A_72, %mul3A_86 : i32
      %add3A_88 = arith.addi %mul3A_2, %mul3A_87 : i32
      %dma_start3A_89 = arith.constant 0 : i32
      %dma_start3A_90 = tpu.memref_slice %arg3[%add3A_88, %dma_start3A_89] : memref<12288x2048xf32, #tpu.memory_space<hbm>> -> memref<8x2048xf32, #tpu.memory_space<hbm>>
      %dma_start3A_91 = arith.constant 0 : i32
      %dma_start3A_92 = tpu.memref_slice %arg3[%add3A_88, %dma_start3A_91] : memref<12288x2048xf32, #tpu.memory_space<hbm>> -> memref<8x2048xf32, #tpu.memory_space<hbm>>
      tpu.enqueue_dma source(%arg6 : memref<8x2048xf32, #tpu.memory_space<vmem>>) target(%dma_start3A_92 : memref<8x2048xf32, #tpu.memory_space<hbm>>) target_semaphore(%arg10 : memref<!tpu.dma_semaphore, #tpu.memory_space<semaphore_mem>>)
      %add3A_93 = arith.constant 2 : i32
      %add3A_94 = arith.addi %add3A_72, %add3A_93 : i32
      %lt3A = arith.constant 48 : i32
      %lt3A_95 = arith.cmpi slt, %add3A_94, %lt3A : i32
      %convert_element_type3A_96 = arith.extui %lt3A_95 : i1 to i32
      %cond3A_97 = arith.constant 0 : i32
      %cond3A_98 = arith.cmpi ne, %convert_element_type3A_96, %cond3A_97 : i32
      scf.if %cond3A_98 {
        %add3A_134 = arith.constant 2 : i32
        %add3A_135 = arith.addi %add3A_72, %add3A_134 : i32
        %add3A_136 = arith.constant 0 : i32
        %add3A_137 = arith.addi %add3A_136, %mul3A_2 : i32
        %mul3A_138 = arith.constant 8 : i32
        %mul3A_139 = arith.muli %add3A_135, %mul3A_138 : i32
        %add3A_140 = arith.addi %add3A_137, %mul3A_139 : i32
        %dma_start3A_141 = arith.constant 0 : i32
        %dma_start3A_142 = tpu.memref_slice %arg2[%add3A_140, %dma_start3A_141] : memref<16384x2048xf32, #tpu.memory_space<hbm>> -> memref<8x2048xf32, #tpu.memory_space<hbm>>
        %dma_start3A_143 = arith.constant 0 : i32
        %dma_start3A_144 = tpu.memref_slice %arg2[%add3A_140, %dma_start3A_143] : memref<16384x2048xf32, #tpu.memory_space<hbm>> -> memref<8x2048xf32, #tpu.memory_space<hbm>>
        tpu.enqueue_dma source(%dma_start3A_144 : memref<8x2048xf32, #tpu.memory_space<hbm>>) target(%arg4 : memref<8x2048xf32, #tpu.memory_space<vmem>>) target_semaphore(%arg8 : memref<!tpu.dma_semaphore, #tpu.memory_space<semaphore_mem>>)
      } else {
      }
      %mul3A_99 = arith.constant 2 : i32
      %mul3A_100 = arith.muli %scan3A_68, %mul3A_99 : i32
      %add3A_101 = arith.constant 1 : i32
      %add3A_102 = arith.addi %mul3A_100, %add3A_101 : i32
      %add3A_103 = arith.constant 0 : i32
      %add3A_104 = arith.addi %add3A_103, %mul3A_2 : i32
      %mul3A_105 = arith.constant 8 : i32
      %mul3A_106 = arith.muli %add3A_102, %mul3A_105 : i32
      %add3A_107 = arith.addi %add3A_104, %mul3A_106 : i32
      %dma_wait3A_108 = arith.constant 0 : i32
      %dma_wait3A_109 = tpu.memref_slice %arg2[%add3A_107, %dma_wait3A_108] : memref<16384x2048xf32, #tpu.memory_space<hbm>> -> memref<8x2048xf32, #tpu.memory_space<hbm>>
      %dma_wait3A_110 = arith.constant 0 : i32
      %dma_wait3A_111 = tpu.memref_slice %arg2[%add3A_107, %dma_wait3A_110] : memref<16384x2048xf32, #tpu.memory_space<hbm>> -> memref<8x2048xf32, #tpu.memory_space<hbm>>
      tpu.wait_dma2 semaphore(%arg9 : memref<!tpu.dma_semaphore, #tpu.memory_space<semaphore_mem>>) src(%dma_wait3A_111 : memref<8x2048xf32, #tpu.memory_space<hbm>>) dst(%arg5 : memref<8x2048xf32, #tpu.memory_space<vmem>>)
      %ge3A_112 = arith.constant 2 : i32
      %ge3A_113 = arith.cmpi sge, %add3A_102, %ge3A_112 : i32
      %convert_element_type3A_114 = arith.extui %ge3A_113 : i1 to i32
      %cond3A_115 = arith.constant 0 : i32
      %cond3A_116 = arith.cmpi ne, %convert_element_type3A_114, %cond3A_115 : i32
      scf.if %cond3A_116 {
        %mul3A_134 = arith.constant 8 : i32
        %mul3A_135 = arith.muli %add3A_102, %mul3A_134 : i32
        %add3A_136 = arith.addi %mul3A_2, %mul3A_135 : i32
        %dma_wait3A_137 = arith.constant 0 : i32
        %dma_wait3A_138 = tpu.memref_slice %arg3[%add3A_136, %dma_wait3A_137] : memref<12288x2048xf32, #tpu.memory_space<hbm>> -> memref<8x2048xf32, #tpu.memory_space<hbm>>
        %dma_wait3A_139 = arith.constant 0 : i32
        %dma_wait3A_140 = tpu.memref_slice %arg3[%add3A_136, %dma_wait3A_139] : memref<12288x2048xf32, #tpu.memory_space<hbm>> -> memref<8x2048xf32, #tpu.memory_space<hbm>>
        tpu.wait_dma2 semaphore(%arg11 : memref<!tpu.dma_semaphore, #tpu.memory_space<semaphore_mem>>) src(%arg7 : memref<8x2048xf32, #tpu.memory_space<vmem>>) dst(%dma_wait3A_140 : memref<8x2048xf32, #tpu.memory_space<hbm>>)
      } else {
      }
      %parallel_loop3A_117 = arith.constant 0 : i32
      %parallel_loop3A_118 = arith.constant 512 : i32
      %parallel_loop3A_119 = arith.constant 1 : i32
      scf.for %parallel_loop3A_134 = %parallel_loop3A_117 to %parallel_loop3A_118 step %parallel_loop3A_119  : i32 {
        %parallel_loop3A_135 = arith.constant 64 : i32
        %parallel_loop3A_136 = arith.divsi %parallel_loop3A_134, %parallel_loop3A_135 : i32
        %parallel_loop3A_137 = arith.constant 0 : i32
        %parallel_loop3A_138 = arith.cmpi sgt, %parallel_loop3A_134, %parallel_loop3A_137 : i32
        %parallel_loop3A_139 = arith.extui %parallel_loop3A_138 : i1 to i32
        %parallel_loop3A_140 = arith.constant 0 : i32
        %parallel_loop3A_141 = arith.cmpi slt, %parallel_loop3A_134, %parallel_loop3A_140 : i32
        %parallel_loop3A_142 = arith.extui %parallel_loop3A_141 : i1 to i32
        %parallel_loop3A_143 = arith.subi %parallel_loop3A_139, %parallel_loop3A_142 : i32
        %parallel_loop3A_144 = arith.constant 0 : i32
        %parallel_loop3A_145 = arith.cmpi sgt, %parallel_loop3A_135, %parallel_loop3A_144 : i32
        %parallel_loop3A_146 = arith.extui %parallel_loop3A_145 : i1 to i32
        %parallel_loop3A_147 = arith.constant 0 : i32
        %parallel_loop3A_148 = arith.cmpi slt, %parallel_loop3A_135, %parallel_loop3A_147 : i32
        %parallel_loop3A_149 = arith.extui %parallel_loop3A_148 : i1 to i32
        %parallel_loop3A_150 = arith.subi %parallel_loop3A_146, %parallel_loop3A_149 : i32
        %parallel_loop3A_151 = arith.cmpi ne, %parallel_loop3A_143, %parallel_loop3A_150 : i32
        %parallel_loop3A_152 = arith.remsi %parallel_loop3A_134, %parallel_loop3A_135 : i32
        %parallel_loop3A_153 = arith.constant 0 : i32
        %parallel_loop3A_154 = arith.cmpi ne, %parallel_loop3A_152, %parallel_loop3A_153 : i32
        %parallel_loop3A_155 = arith.andi %parallel_loop3A_151, %parallel_loop3A_154 : i1
        %parallel_loop3A_156 = arith.constant 1 : i32
        %parallel_loop3A_157 = arith.subi %parallel_loop3A_136, %parallel_loop3A_156 : i32
        %parallel_loop3A_158 = arith.select %parallel_loop3A_155, %parallel_loop3A_157, %parallel_loop3A_136 : i32
        %parallel_loop3A_159 = arith.constant 64 : i32
        %parallel_loop3A_160 = arith.constant 0 : i32
        %parallel_loop3A_161 = arith.cmpi eq, %parallel_loop3A_159, %parallel_loop3A_160 : i32
        %parallel_loop3A_162 = arith.constant 1 : i32
        %parallel_loop3A_163 = arith.select %parallel_loop3A_161, %parallel_loop3A_162, %parallel_loop3A_159 : i32
        %parallel_loop3A_164 = arith.remsi %parallel_loop3A_134, %parallel_loop3A_163 : i32
        %parallel_loop3A_165 = arith.constant 0 : i32
        %parallel_loop3A_166 = arith.cmpi ne, %parallel_loop3A_164, %parallel_loop3A_165 : i32
        %parallel_loop3A_167 = arith.constant 0 : i32
        %parallel_loop3A_168 = arith.cmpi slt, %parallel_loop3A_164, %parallel_loop3A_167 : i32
        %parallel_loop3A_169 = arith.constant 0 : i32
        %parallel_loop3A_170 = arith.cmpi slt, %parallel_loop3A_163, %parallel_loop3A_169 : i32
        %parallel_loop3A_171 = arith.xori %parallel_loop3A_168, %parallel_loop3A_170 : i1
        %parallel_loop3A_172 = arith.andi %parallel_loop3A_171, %parallel_loop3A_166 : i1
        %parallel_loop3A_173 = arith.addi %parallel_loop3A_164, %parallel_loop3A_163 : i32
        %parallel_loop3A_174 = arith.select %parallel_loop3A_172, %parallel_loop3A_173, %parallel_loop3A_164 : i32
        %parallel_loop3A_175 = arith.constant 32 : i32
        %parallel_loop3A_176 = arith.muli %parallel_loop3A_174, %parallel_loop3A_175 : i32
        %parallel_loop3A_177 = vector.broadcast %parallel_loop3A_158 : i32 to vector<16xi32>
        %parallel_loop3A_178 = arith.addi %broadcast_in_dim3A_36, %parallel_loop3A_177 : vector<16xi32>
        %parallel_loop3A_179 = vector.broadcast %parallel_loop3A_176 : i32 to vector<16xi32>
        %parallel_loop3A_180 = arith.addi %parallel_loop3A_179, %mul3A_30 : vector<16xi32>
        %parallel_loop3A_181 = vector.broadcast %parallel_loop3A_176 : i32 to vector<16xi32>
        %parallel_loop3A_182 = arith.addi %parallel_loop3A_181, %add3A_33 : vector<16xi32>
        %parallel_loop3A_183 = tpu.vector_load_idx %arg5[%parallel_loop3A_178, %parallel_loop3A_180] : memref<8x2048xf32, #tpu.memory_space<vmem>>[vector<16xi32>, vector<16xi32>], vector<16xf32>,
        %parallel_loop3A_184 = tpu.vector_load_idx %arg5[%parallel_loop3A_178, %parallel_loop3A_182] : memref<8x2048xf32, #tpu.memory_space<vmem>>[vector<16xi32>, vector<16xi32>], vector<16xf32>,
        %parallel_loop3A_185 = arith.mulf %parallel_loop3A_183, %parallel_loop3A_183 : vector<16xf32>
        %parallel_loop3A_186 = arith.mulf %parallel_loop3A_184, %parallel_loop3A_184 : vector<16xf32>
        %parallel_loop3A_187 = arith.addf %parallel_loop3A_185, %parallel_loop3A_186 : vector<16xf32>
        %parallel_loop3A_188 = vector.shape_cast %add3A_11 : vector<16xi32> to vector<16x1xi32>
        %parallel_loop3A_189 = vector.shape_cast %parallel_loop3A_188 : vector<16x1xi32> to vector<16xi32>
        %parallel_loop3A_190 = tpu.dynamic_gather %parallel_loop3A_187[%parallel_loop3A_189] in [0] : vector<16xf32>, vector<16xi32> -> vector<16xf32>
        %parallel_loop3A_191 = arith.cmpf olt, %parallel_loop3A_190, %parallel_loop3A_187 : vector<16xf32>
        %parallel_loop3A_192 = vector.shape_cast %add3A_19 : vector<16xi32> to vector<16x1xi32>
        %parallel_loop3A_193 = vector.shape_cast %parallel_loop3A_192 : vector<16x1xi32> to vector<16xi32>
        %parallel_loop3A_194 = tpu.dynamic_gather %parallel_loop3A_187[%parallel_loop3A_193] in [0] : vector<16xf32>, vector<16xi32> -> vector<16xf32>
        %parallel_loop3A_195 = arith.cmpf olt, %parallel_loop3A_194, %parallel_loop3A_187 : vector<16xf32>
        %parallel_loop3A_196 = vector.shape_cast %add3A_27 : vector<16xi32> to vector<16x1xi32>
        %parallel_loop3A_197 = vector.shape_cast %parallel_loop3A_196 : vector<16x1xi32> to vector<16xi32>
        %parallel_loop3A_198 = tpu.dynamic_gather %parallel_loop3A_187[%parallel_loop3A_197] in [0] : vector<16xf32>, vector<16xi32> -> vector<16xf32>
        %parallel_loop3A_199 = arith.cmpf olt, %parallel_loop3A_198, %parallel_loop3A_187 : vector<16xf32>
        %parallel_loop3A_200 = arith.andi %parallel_loop3A_191, %parallel_loop3A_195 : vector<16xi1>
        %parallel_loop3A_201 = arith.andi %parallel_loop3A_191, %parallel_loop3A_199 : vector<16xi1>
        %parallel_loop3A_202 = arith.ori %parallel_loop3A_200, %parallel_loop3A_201 : vector<16xi1>
        %parallel_loop3A_203 = arith.andi %parallel_loop3A_195, %parallel_loop3A_199 : vector<16xi1>
        %parallel_loop3A_204 = arith.ori %parallel_loop3A_202, %parallel_loop3A_203 : vector<16xi1>
        %parallel_loop3A_205 = arith.select %parallel_loop3A_204, %parallel_loop3A_183, %broadcast_in_dim3A_34 : vector<16xi1>, vector<16xf32>
        tpu.vector_store_idx %arg7[%parallel_loop3A_178, %parallel_loop3A_180], %parallel_loop3A_205 : memref<8x2048xf32, #tpu.memory_space<vmem>>[vector<16xi32>, vector<16xi32>], vector<16xf32>,
        %parallel_loop3A_206 = arith.select %parallel_loop3A_204, %parallel_loop3A_184, %broadcast_in_dim3A_34 : vector<16xi1>, vector<16xf32>
        tpu.vector_store_idx %arg7[%parallel_loop3A_178, %parallel_loop3A_182], %parallel_loop3A_206 : memref<8x2048xf32, #tpu.memory_space<vmem>>[vector<16xi32>, vector<16xi32>], vector<16xf32>,
      } {sc.loop_unroll_factor = 4 : i64, sc.parallel_access}
      %mul3A_120 = arith.constant 8 : i32
      %mul3A_121 = arith.muli %add3A_102, %mul3A_120 : i32
      %add3A_122 = arith.addi %mul3A_2, %mul3A_121 : i32
      %dma_start3A_123 = arith.constant 0 : i32
      %dma_start3A_124 = tpu.memref_slice %arg3[%add3A_122, %dma_start3A_123] : memref<12288x2048xf32, #tpu.memory_space<hbm>> -> memref<8x2048xf32, #tpu.memory_space<hbm>>
      %dma_start3A_125 = arith.constant 0 : i32
      %dma_start3A_126 = tpu.memref_slice %arg3[%add3A_122, %dma_start3A_125] : memref<12288x2048xf32, #tpu.memory_space<hbm>> -> memref<8x2048xf32, #tpu.memory_space<hbm>>
      tpu.enqueue_dma source(%arg7 : memref<8x2048xf32, #tpu.memory_space<vmem>>) target(%dma_start3A_126 : memref<8x2048xf32, #tpu.memory_space<hbm>>) target_semaphore(%arg11 : memref<!tpu.dma_semaphore, #tpu.memory_space<semaphore_mem>>)
      %add3A_127 = arith.constant 2 : i32
      %add3A_128 = arith.addi %add3A_102, %add3A_127 : i32
      %lt3A_129 = arith.constant 48 : i32
      %lt3A_130 = arith.cmpi slt, %add3A_128, %lt3A_129 : i32
      %convert_element_type3A_131 = arith.extui %lt3A_130 : i1 to i32
      %cond3A_132 = arith.constant 0 : i32
      %cond3A_133 = arith.cmpi ne, %convert_element_type3A_131, %cond3A_132 : i32
      scf.if %cond3A_133 {
        %add3A_134 = arith.constant 2 : i32
        %add3A_135 = arith.addi %add3A_102, %add3A_134 : i32
        %add3A_136 = arith.constant 0 : i32
        %add3A_137 = arith.addi %add3A_136, %mul3A_2 : i32
        %mul3A_138 = arith.constant 8 : i32
        %mul3A_139 = arith.muli %add3A_135, %mul3A_138 : i32
        %add3A_140 = arith.addi %add3A_137, %mul3A_139 : i32
        %dma_start3A_141 = arith.constant 0 : i32
        %dma_start3A_142 = tpu.memref_slice %arg2[%add3A_140, %dma_start3A_141] : memref<16384x2048xf32, #tpu.memory_space<hbm>> -> memref<8x2048xf32, #tpu.memory_space<hbm>>
        %dma_start3A_143 = arith.constant 0 : i32
        %dma_start3A_144 = tpu.memref_slice %arg2[%add3A_140, %dma_start3A_143] : memref<16384x2048xf32, #tpu.memory_space<hbm>> -> memref<8x2048xf32, #tpu.memory_space<hbm>>
        tpu.enqueue_dma source(%dma_start3A_144 : memref<8x2048xf32, #tpu.memory_space<hbm>>) target(%arg5 : memref<8x2048xf32, #tpu.memory_space<vmem>>) target_semaphore(%arg9 : memref<!tpu.dma_semaphore, #tpu.memory_space<semaphore_mem>>)
      } else {
      }
    }
    %scan3A_56 = arith.constant 24 : i32
    %add3A_57 = arith.constant 368 : i32
    %add3A_58 = arith.addi %mul3A_2, %add3A_57 : i32
    %dma_wait3A = arith.constant 0 : i32
    %dma_wait3A_59 = tpu.memref_slice %arg3[%add3A_58, %dma_wait3A] : memref<12288x2048xf32, #tpu.memory_space<hbm>> -> memref<8x2048xf32, #tpu.memory_space<hbm>>
    %dma_wait3A_60 = arith.constant 0 : i32
    %dma_wait3A_61 = tpu.memref_slice %arg3[%add3A_58, %dma_wait3A_60] : memref<12288x2048xf32, #tpu.memory_space<hbm>> -> memref<8x2048xf32, #tpu.memory_space<hbm>>
    tpu.wait_dma2 semaphore(%arg10 : memref<!tpu.dma_semaphore, #tpu.memory_space<semaphore_mem>>) src(%arg6 : memref<8x2048xf32, #tpu.memory_space<vmem>>) dst(%dma_wait3A_61 : memref<8x2048xf32, #tpu.memory_space<hbm>>)
    %add3A_62 = arith.constant 376 : i32
    %add3A_63 = arith.addi %mul3A_2, %add3A_62 : i32
    %dma_wait3A_64 = arith.constant 0 : i32
    %dma_wait3A_65 = tpu.memref_slice %arg3[%add3A_63, %dma_wait3A_64] : memref<12288x2048xf32, #tpu.memory_space<hbm>> -> memref<8x2048xf32, #tpu.memory_space<hbm>>
    %dma_wait3A_66 = arith.constant 0 : i32
    %dma_wait3A_67 = tpu.memref_slice %arg3[%add3A_63, %dma_wait3A_66] : memref<12288x2048xf32, #tpu.memory_space<hbm>> -> memref<8x2048xf32, #tpu.memory_space<hbm>>
    tpu.wait_dma2 semaphore(%arg11 : memref<!tpu.dma_semaphore, #tpu.memory_space<semaphore_mem>>) src(%arg7 : memref<8x2048xf32, #tpu.memory_space<vmem>>) dst(%dma_wait3A_67 : memref<8x2048xf32, #tpu.memory_space<hbm>>)
    return
  }
}

</mosaic_0001>

<sc_bundles>
// kernel: kernel.4.cloned.1.call-start
scs
__scs_entry_jumppad:
0x0: {  	(pc) =	sbr.rel $0x88, $3  }
0x1: {  	(tag) =	ssettag $0x0;
	lr =	simm.s32 $0x1  }
0x2: {  	[smem:$0x3FA0] =	sst lr;
	_ =	strace $0xD0000000  }
0x3: {  	_ = 	snop  }
0x4: {  	_ = 	snop  }
0x5: {  	_ = 	snop  }
0x6: {  	_ = 	snop  }
0x7: {  	_ = 	snop  }
__scs_overlays_trampoline_lowered:
0x8: {  	[smem:$0x3FAF] =	sst s0  }
0x9: {  	[smem:$0x3FB0] =	sst s1  }
0xa: {  	[smem:$0x3FB1] =	sst s2  }
0xb: {  	[smem:$0x3FB2] =	sst s3  }
0xc: {  	[smem:$0x3FB3] =	sst s4  }
0xd: {  	[smem:$0x3FB4] =	sst s5  }
0xe: {  	[smem:$0x3FB5] =	sst s6  }
0xf: {  	[smem:$0x3FB6] =	sst s7  }
0x10: {  	[smem:$0x3FB7] =	sst s8  }
0x11: {  	[smem:$0x3FB8] =	sst s9;
	s0 =	simm.s32 @!p0 $0x0  }
0x12: {  	s1 =	sld [smem:$0x3F9E];
	s0 =	simm.s32 @p0 $0x1  }
0x13: {  	[smem:$0x3FB9] =	sst s0;
	s0 =	simm.s32 @!p1 $0x0  }
0x14: {  	s2 =	sld [smem:$0x3F9D];
	s0 =	simm.s32 @p1 $0x1  }
0x15: {  	[smem:$0x3FBA] =	sst s0;
	s0 =	simm.s32 @!p2 $0x0  }
0x16: {  	s3 =	sld [smem:$0x3FDB];
	s0 =	simm.s32 @p2 $0x1  }
0x17: {  	s4 =	simm.s32 $0x1BF5;
	[smem:$0x3FBC] =	sst s0  }
0x18: {  	s0 =	sld [smem:$0x3F9F];
	_ =	swait.ge [sflag:s4], $0x0  }
0x19: {  	s7 =	sld [smem:$0x3FA0]  }
0x1a: {  	s8 =	sadd.s32 $0xFFFFE003, lr  }
0x1b: {  	s9 =	sadd.s32 $0xFFFFFEF7, lr;
	s5 =	simm.s32 $0xFFFFFFFF;
	p2 =	slt.u32 s8, $0xFFFFF086  }
0x1c: {  	p1 =	slt.u32 s9, $0xF7A;
	s5 =	simm.s32 @!p2 $0x0  }
0x1d: {  	s5 =	simm.s32 @p1 $0x1;
	p0 =	seq.s32 s7, s2  }
0x1e: {  	s7 =	smul.u32 @!p0 $0xF7A, s2;
	p2 =	seq.s32 @!p0 s5, $0x0  }
0x1f: {  	s9 =	smul.u32 $0xF7A, s1;
	s8 =	simm.s32 @!p0 $0x1BF5;
	p2 =	por !p2, p0  }
0x20: {  	[sflag:s8] =	ssyncset.s32 @!p0 $0xFFFFF086;
	s6 =	sadd.s32 @!p0 s3, s7;
	s7 =	simm.s32 @!p0 $0x108  }
0x21: {  	s3 =	sadd.s32 s3, s9;
	s6 =	sadd.s32 @!p0 $0x88, s6;
	s7 =	simm.s32 @p2 $0x1082  }
0x22: {  	[simem:s7], [sflag:s8] =	dma.local @!p0 [hbm:s6], $0xF7A  }
0x23: {  	s9 =	sor.u32 $0xD0000000, s2;
	s6 =	simm.s32 $0x108;
	_ =	swait.ge @!p0 [sflag:s8], $0x0  }
0x24: {  	s3 =	sadd.s32 $0x88, s3;
	s6 =	simm.s32 @!p1 $0x1082;
	[sflag:s4] =	ssyncset.s32 $0xFFFFF086  }
0x25: {  	[simem:s6], [sflag:s4] =	dma.local [hbm:s3], $0xF7A  }
0x26: {  	[smem:$0x3FA0] =	sst s1;
	(tag) =	ssettag s2;
	_ =	strace s9  }
0x27: {  	s1 =	sld [smem:$0x3FB0]  }
0x28: {  	s2 =	sld [smem:$0x3FB1]  }
0x29: {  	s4 =	sld [smem:$0x3FB3]  }
0x2a: {  	p0 =	seq.s32 s5, $0x0;
	s5 =	sld [smem:$0x3FB4]  }
0x2b: {  	s6 =	sld [smem:$0x3FB5]  }
0x2c: {  	s7 =	sld [smem:$0x3FB6]  }
0x2d: {  	s3 =	simm.s32 $0x108;
	s8 =	sld [smem:$0x3FB7]  }
0x2e: {  	s3 =	simm.s32 @!p0 $0x1082;
	s9 =	sld [smem:$0x3FB8]  }
0x2f: {  	lr =	sadd.s32 s0, s3;
	s0 =	sld [smem:$0x3FAF]  }
0x30: {  	s3 =	sld [smem:$0x3FB2]  }
0x31: {  	[smem:$0x3FBB] =	sst s10  }
0x32: {  	s10 =	sld [smem:$0x3FB9];
	_ =	sdelay $0x3  }
0x33: {  	p0 =	seq.s32 s10, $0x1;
	s10 =	sld [smem:$0x3FBB];
	_ =	sdelay $0x3  }
0x34: {  	[smem:$0x3FBB] =	sst s10  }
0x35: {  	s10 =	sld [smem:$0x3FBA];
	_ =	sdelay $0x3  }
0x36: {  	p1 =	seq.s32 s10, $0x1;
	s10 =	sld [smem:$0x3FBB];
	_ =	sdelay $0x3  }
0x37: {  	[smem:$0x3FBB] =	sst s10  }
0x38: {  	s10 =	sld [smem:$0x3FBC]  }
0x39: {  	_ = 	snop;
	(pc) =	sbr.ind lr, $3  }
0x3a: {  	_ = 	snop  }
0x3b: {  	_ = 	snop  }
0x3c: {  	p2 =	seq.s32 s10, $0x1;
	s10 =	sld [smem:$0x3FBB]  }
0x3d: {  	_ =	shalt  }
0x3e: {  	_ =	shalt  }
0x3f: {  	_ =	shalt  }
0x40: {  	_ =	shalt  }
0x41: {  	_ =	shalt  }
0x42: {  	_ =	shalt  }
0x43: {  	_ =	shalt  }
0x44: {  	_ =	shalt  }
0x45: {  	_ =	shalt  }
0x46: {  	_ =	shalt  }
0x47: {  	_ =	shalt  }
0x48: {  	_ =	shalt  }
0x49: {  	_ =	shalt  }
0x4a: {  	_ =	shalt  }
0x4b: {  	_ =	shalt  }
0x4c: {  	_ =	shalt  }
0x4d: {  	_ =	shalt  }
0x4e: {  	_ =	shalt  }
0x4f: {  	_ =	shalt  }
0x50: {  	_ =	shalt  }
0x51: {  	_ =	shalt  }
0x52: {  	_ =	shalt  }
0x53: {  	_ =	shalt  }
0x54: {  	_ =	shalt  }
0x55: {  	_ =	shalt  }
0x56: {  	_ =	shalt  }
0x57: {  	_ =	shalt  }
0x58: {  	_ =	shalt  }
0x59: {  	_ =	shalt  }
0x5a: {  	_ =	shalt  }
0x5b: {  	_ =	shalt  }
0x5c: {  	_ =	shalt  }
0x5d: {  	_ =	shalt  }
0x5e: {  	_ =	shalt  }
0x5f: {  	_ =	shalt  }
0x60: {  	_ =	shalt  }
0x61: {  	_ =	shalt  }
0x62: {  	_ =	shalt  }
0x63: {  	_ =	shalt  }
0x64: {  	_ =	shalt  }
0x65: {  	_ =	shalt  }
0x66: {  	_ =	shalt  }
0x67: {  	_ =	shalt  }
0x68: {  	_ =	shalt  }
0x69: {  	_ =	shalt  }
0x6a: {  	_ =	shalt  }
0x6b: {  	_ =	shalt  }
0x6c: {  	_ =	shalt  }
0x6d: {  	_ =	shalt  }
0x6e: {  	_ =	shalt  }
0x6f: {  	_ =	shalt  }
0x70: {  	_ =	shalt  }
0x71: {  	_ =	shalt  }
0x72: {  	_ =	shalt  }
0x73: {  	_ =	shalt  }
0x74: {  	_ =	shalt  }
0x75: {  	_ =	shalt  }
0x76: {  	_ =	shalt  }
0x77: {  	_ =	shalt  }
0x78: {  	_ =	shalt  }
0x79: {  	_ =	shalt  }
0x7a: {  	_ =	shalt  }
0x7b: {  	_ =	shalt  }
0x7c: {  	_ =	shalt  }
0x7d: {  	_ =	shalt  }
0x7e: {  	_ =	shalt  }
0x7f: {  	_ =	shalt  }
0x80: {  	_ =	shalt  }
0x81: {  	_ =	shalt  }
0x82: {  	_ =	shalt  }
0x83: {  	_ =	shalt  }
0x84: {  	_ =	shalt  }
0x85: {  	_ =	shalt  }
0x86: {  	_ =	shalt  }
0x87: {  	_ =	shalt  }
.Lfunc_end0:
.L_simem_size_0:
called_computation_lowered:
.L_overlay_start_0:
0x88: {  	s2 =	sld [smem:$0x3FD9]  }
0x89: {  	s3 =	sld [smem:$0x3FFE];
	_ =	sdelay $0x1  }
0x8a: {  	s1 =	srdreg.scid  }
0x8b: {  	s0 =	sand.u32 $0x1, s1  }
0x8c: {  	s17 =	sshll.u32 s0, $0xA;
	s2 =	sadd.s32 s3, s2  }
0x8d: {  	s2 =	sadd.s32 s2, s17  }
0x8e: {  	[smem:$0x3FC7] =	sst s2  }
0x8f: {  	_ = 	snop  }
0x90: {  	s18 =	sld [smem:$0x3FC9];
	(tm) =	ssettm $0x1  }
0x91: {  	s19 =	sld [smem:$0x3FFB];
	_ =	sdelay $0x3  }
0x92: {  	_ =	strace s19  }
0x93: {  	s2 =	sld [smem:$0x3FFC];
	_ =	sdelay $0x3  }
0x94: {  	_ =	strace s2  }
0x95: {  	s2 =	sld [smem:$0x3FFD];
	_ =	sdelay $0x3  }
0x96: {  	_ =	strace s2  }
0x97: {  	_ =	strace $0x8FFFFFFF  }
0x98: {  	s20 =	sld [smem:$0x3FDB];
	_ =	sdelay $0x1  }
0x99: {  	s4 =	simm.s32 $_scs_section_size  }
0x9a: {  	s5 =	simm.s32 $_size__tile_overlayer_lowered;
	s6 =	simm.s32 $_tile_overlayer_lowered  }
0x9b: {  	s7 =	simm.s32 $0x1BFF;
	s21 =	sshll.u32 s6, $0x1;
	s4 =	sadd.s32 s4, s20  }
0x9c: {  	s22 =	simm.s32 $0x0;
	s5 =	sshll.u32 s5, $0x1;
	s6 =	sadd.s32 s21, s4  }
0x9d: {  	[timem:s22], [sflag:s7] =	dma.local [hbm:s6], s5  }
0x9e: {  	_ =	swait.ge [sflag:s7], s5  }
0x9f: {  	s5 =	ssub.s32 $0x0, s5;
	[sflag:s7] =	ssyncset.done $0x0  }
0xa0: {  	[sflag:s7] =	ssyncadd.s32 s5;
	_ =	sdelay $0x1  }
0xa1: {  	s23 =	simm.s32 $0x1B8B  }
0xa2: {  	_ =	swait.ge [sflag:s23], $0x1  }
0xa3: {  	[sflag:s23] =	ssyncset.done $0x0  }
0xa4: {  	[sflag:s23] =	ssyncadd.s32 $0xFFFFFFFF  }
0xa5: {  	s5 =	sld [smem:$0x0]  }
0xa6: {  	s6 =	sand.u32 $0xFFFFFFFE, s1  }
0xa7: {  	p0 =	sne.s32 s1, s6  }
0xa8: {  	s6 =	sshll.u32 @p0 s6, $0xE  }
0xa9: {  	s6 =	sadd.s32 @p0 $0x11B8D, s6;
	s7 =	sshll.u32 @p0 s5, $0x11  }
0xaa: {  	s6 =	sor.u32 @p0 s7, s6  }
0xab: {  	[sflag:s6] =	ssyncadd.remote.s32 @p0 $0x1;
	_ =	sdelay $0x1  }
0xac: {  	s6 =	simm.s32 @p0 $0x1B8D  }
0xad: {  	_ =	swait.eq @p0 [sflag:s6], $0x1  }
0xae: {  	[sflag:s6] =	ssyncadd.s32 @p0 $0xFFFFFFFF  }
0xaf: {  	s7 =	sshll.u32 @!p0 s1, $0xE  }
0xb0: {  	s7 =	sor.u32 @!p0 $0x4000, s7;
	s6 =	simm.s32 @!p0 $0x1B8D  }
0xb1: {  	s5 =	sshll.u32 @!p0 s5, $0x11;
	s7 =	sadd.s32 @!p0 $0x11B8D, s7;
	_ =	swait.eq @!p0 [sflag:s6], $0x1  }
0xb2: {  	s5 =	sor.u32 @!p0 s5, s7;
	[sflag:s6] =	ssyncadd.s32 @!p0 $0xFFFFFFFF  }
0xb3: {  	s25 =	simm.s32 $0x1B8E;
	s24 =	sld [smem:$0x3FFE];
	[sflag:s5] =	ssyncadd.remote.s32 @!p0 $0x1  }
0xb4: {  	s26 =	simm.s32 $execute0_lowered;
	[smem:$0x3FD2] =	sst s25  }
0xb5: {  	s6 =	sshll.u32 s26, $0x1;
	_ =	strace $0x80000049;
	[dreg:$0x1] =	wrdreg $0xFFFFFFFF  }
0xb6: {  	s28 =	simm.s32 $_size_execute0_lowered;
	s4 =	sadd.s32 s4, s6;
	[dreg:$0x0] =	wrdreg $0x0  }
0xb7: {  	s6 =	sshll.u32 s28, $0x1;
	[dreg:$0x2] =	wrdreg s4  }
0xb8: {  	[dreg:$0x3] =	wrdreg s6  }
0xb9: {  	[dreg:$0x4] =	wrdreg $0xC0  }
0xba: {  	_ =	task [dreg:s22], $0x5FFFF  }
0xbb: {  	[dreg:$0x1] =	wrdreg $0xFFFFFFFF  }
0xbc: {  	[dreg:$0x0] =	wrdreg $0x60  }
0xbd: {  	[dreg:$0x2] =	wrdreg s18  }
0xbe: {  	[dreg:$0x3] =	wrdreg s24  }
0xbf: {  	[dreg:$0x4] =	wrdreg $0x9  }
0xc0: {  	_ =	task.clear_ibuf [dreg:s22], $0x5FFFF;
	_ =	strace $0x90000049  }
0xc1: {  	s29 =	simm.s32 $0x9;
	_ =	strace $0x8000004B  }
0xc2: {  	_ =	swait.ge [sflag:s29], $0x1  }
0xc3: {  	[sflag:s29] =	ssyncadd.s32 $0xFFFFFFFF  }
0xc4: {  	_ =	strace $0x9000004B  }
0xc5: {  	_ =	sfence  }
0xc6: {  	s30 =	sld [smem:$0x0];
	_ =	sdelay $0x2  }
0xc7: {  	s31 =	sshll.u32 s1, $0xD;
	s1 =	sshrl.u32 s1, $0x2  }
0xc8: {  	s4 =	sand.u32 $0x4000, s31;
	s1 =	sadd.s32 s1, s30  }
0xc9: {  	s0 =	sor.u32 s4, s0;
	s1 =	sshll.u32 s1, $0x11  }
0xca: {  	s0 =	sor.u32 s1, s0  }
0xcb: {  	s0 =	sadd.s32 $0x8F2B, s0  }
0xcc: {  	[sflag:s0] =	ssyncadd.remote.s32 $0x1  }
0xcd: {  	_ =	sfence.sel $0xFFFF  }
0xce: {  	[dreg:$0x0] =	wrdreg $0xFFFFFFFF;
	(pc) =	sbr.abs _section_cstart, $3  }
0xcf: {  	[dreg:$0x1] =	wrdreg $0xFFFFFFFF  }
0xd0: {  	_ =	task.clear_ibuf [dreg:s22], $0x2FFFF;
	_ =	strace $0x9FFFFFFF  }
0xd1: {  	(tm) =	ssettm $0x7FFFFFFF  }
tec
execute0_lowered:
.L_overlay_start_1:
0x0: {  	(tag) =	ssettag $0x1  }
0x1: {  	s0 =	rddreg [dreg:$0x0];
	s2 =	srdreg.scid  }
0x2: {  	v1 =	vimm.s32 $0xCFED8BA9;
	v2 =	vimm.s32 $0x47650321;
	v3 =	vimm.s32 $0xDCFE98BA;
	s1 =	stileid.u32;
	s4 =	rddreg [dreg:$0x1]  }
0x3: {  	v0 =	vlaneseq.u32;
	v4 =	vimm.s32 $0x54761032;
	v5 =	vimm.s32 $0xEDCFA98B;
	s3 =	simm.s32 $0x0;
	s12 =	simm.s32 $0x4000;
	s13 =	simm.s32 $0x1  }
0x4: {  	v6 =	vimm.s32 $0x65472103;
	s14 =	simm.s32 $0x8000;
	s15 =	simm.s32 $0x2;
	s16 =	simm.s32 $0x4;
	v1 =	vunpack.c.l.s4.s8 v1;
	v2 =	vunpack.c.l.s4.s8 v2  }
0x5: {  	s17 =	simm.s32 $0xC000;
	v3 =	vunpack.c.l.s4.s8 v3;
	s5 =	sand.u32 $0x1, s2;
	s6 =	sshll.u32 s1, $0x1;
	v4 =	vunpack.c.l.s4.s8 v4;
	v5 =	vunpack.c.l.s4.s8 v5  }
0x6: {  	s18 =	simm.s32 $0x3;
	s2 =	rddreg [dreg:$0x2];
	v6 =	vunpack.c.l.s4.s8 v6;
	v0 =	vmul.u32 $0x2, v0;
	s7 =	sor.u32 s5, s6;
	v1 =	vunpack.c.0.s8.s32 v1  }
0x7: {  	s19 =	simm.s32 $0x0;
	[smem:$0x7FF] =	sst s3;
	s11 =	smul.u32 $0x18000, s7;
	v2 =	vunpack.c.0.s8.s32 v2;
	v3 =	vunpack.c.0.s8.s32 v3;
	v4 =	vunpack.c.0.s8.s32 v4  }
.Ltmp0:
0x8: {  	s4 =	sadd.s32 $0x100800, s4;
	s5 =	ssub.s32 $0x2, s5;
	v5 =	vunpack.c.0.s8.s32 v5;
	v6 =	vunpack.c.0.s8.s32 v6;
	v7 =	vor.u32 $0x40, v0;
	(pc) =	sbr.rel .LBB2_1-.Ltmp0, $4  }
0x9: {  	_ =	strace $0x8000004A;
	s31 =	sshrl.u32 s5, $0x1;
	s9 =	smul.u32 $0x30, s7;
	v8 =	vor.u32 $0x41, v0;
	v9 =	vor.u32 $0x60, v0;
	v2 =	vcombine.low v2, v1  }
0xa: {  	s7 =	smul.u32 $0xC0000, s7;
	v10 =	vor.u32 $0x61, v0;
	s10 =	ssub.s32 s5, s31;
	s5 =	sadd.s32 s0, s11;
	v3 =	vcombine.low v4, v3;
	v4 =	vcombine.low v6, v5  }
0xb: {  	s8 =	sor.u32 $0x2, s9;
	s9 =	sor.u32 $0x3, s9;
	s11 =	sadd.s32 s11, s4;
	v1 =	vor.u32 $0x1, v0;
	v5 =	vor.u32 $0x20, v0;
	v6 =	vor.u32 $0x21, v0  }
0xc: {  	s10 =	smax.u32 s10, $0x1;
	s6 =	sadd.s32 $0x800, s5;
	s11 =	sadd.s32 $0x800, s11;
	v2 =	vand.u32 $0xF, v2;
	v3 =	vand.u32 $0xF, v3;
	v4 =	vand.u32 $0xF, v4  }
.LBB2_12:
0xd: {  	s19 =	sadd.s32 $0x1, s19  }
0xe: {  	_ =	swait.ge [sflag:s18], $0x4000;
	p0 =	sne.s32 s19, s10  }
.Ltmp1:
0xf: {  	[sflag:s18] =	ssyncset.done $0x0;
	(pc) =	sbr.rel @!p0 .LBB2_13-.Ltmp1, $4  }
0x10: {  	[sflag:s18] =	ssyncadd.s32 $0xFFFFC000  }
0x11: {  	_ =	swait.ge [sflag:s16], $0x4000  }
0x12: {  	[sflag:s16] =	ssyncset.done $0x0  }
0x13: {  	[sflag:s16] =	ssyncadd.s32 $0xFFFFC000  }
.LBB2_1:
0x14: {  	[tilespmem:s3], [sflag:$0x1] =	stream.linear.gather [hbm4b:s5+s3], $0x4000, $0x38;
	[tilespmem:$0x10000] =	vst v63  }
0x15: {  	s20 =	simm.s32 $0x0  }
0x16: {  	[tilespmem:s12], [sflag:$0x2] =	stream.linear.gather [hbm4b:s6+s3], $0x4000, $0x38;
	[tilespmem:$0x10000] =	vst v63  }
.LBB2_2:
0x17: {  	s21 =	simm.s32 $0x0;
	s22 =	simm.s32 $0x0  }
0x18: {  	s21 =	sand.u32 $0x780, s21;
	v11 =	vmov s22  }
0x19: {  	v12 =	vmov s21;
	v11 =	vshll.u32 v11, $0x7  }
0x1a: {  	v12 =	vshll.u32 v12, $0x3;
	v11 =	vand.u32 $0x380, v11  }
0x1b: {  	v11 =	vor.u32 v11, v12  }
0x1c: {  	v11 =	vbroadcast v11, $0x0  }
0x1d: {  	_ =	swait.ge [sflag:s13], $0x4000  }
0x1e: {  	p0 =	seq.s32 s20, $0x0;
	[sflag:s13] =	ssyncset.done $0x0;
	v29 =	vor.u32 v9, v11  }
0x1f: {  	[sflag:s13] =	ssyncadd.s32 $0xFFFFC000;
	s21 =	simm.s32 @!p0 $0x3;
	v32 =	vor.u32 v10, v11  }
0x20: {  	_ =	swait.ge @!p0 [sflag:s21], $0x4000;
	v35 =	vor.u32 v0, v11  }
0x21: {  	[sflag:s21] =	ssyncset.done @!p0 $0x0;
	v16 =	vor.u32 v1, v11  }
0x22: {  	[sflag:s21] =	ssyncadd.s32 @!p0 $0xFFFFC000  }
0x23: {  	v15 =	vor.u32 v5, v11;
	v14 =	vld.idx.msk [tilespmem:v29+s3+$0x0], $0xffff  }
0x24: {  	v12 =	vor.u32 v6, v11;
	v17 =	vld.idx.msk [tilespmem:v32+s3+$0x0], $0xffff  }
0x25: {  	v36 =	vld.idx.msk [tilespmem:v35+s3+$0x0], $0xffff  }
0x26: {  	v13 =	vor.u32 v7, v11;
	v11 =	vor.u32 v8, v11;
	v38 =	vld.idx.msk [tilespmem:v16+s3+$0x0], $0xffff;
	_ =	sdelay $0x1  }
0x27: {  	v40 =	vld.idx.msk [tilespmem:v15+s3+$0x0], $0xffff  }
0x28: {  	v26 =	vld.idx.msk [tilespmem:v12+s3+$0x0], $0xffff  }
0x29: {  	v18 =	vmul.f32 v14, v14;
	v19 =	vmul.f32 v17, v17  }
0x2a: {  	v28 =	vld.idx.msk [tilespmem:v11+s3+$0x0], $0xffff;
	v20 =	vmul.f32 v36, v36;
	v21 =	vmul.f32 v38, v38  }
0x2b: {  	v18 =	vadd.f32 v19, v18  }
0x2c: {  	s31 =	simm.s32 $0x0;
	v24 =	vmul.f32 v40, v40;
	v27 =	vadd.f32 v21, v20  }
0x2d: {  	v20 =	vmov s31;
	v21 =	vmul.f32 v26, v26;
	v22 =	vperm.xlane v18, v3  }
0x2e: {  	v20 =	vshll.u32 v20, $0x7;
	v23 =	vperm.xlane v18, v4;
	v25 =	vperm.xlane v18, v2  }
0x2f: {  	s30 =	simm.s32 $0x80;
	v30 =	vmul.f32 v28, v28;
	v19 =	vld.idx.msk [tilespmem:v13+s3+$0x0], $0xffff;
	v20 =	vand.u32 $0x380, v20;
	v33 =	vadd.f32 v21, v24  }
0x30: {  	s21 =	sand.u32 $0x780, s30;
	vm0 =	vlt.f32 v22, v18;
	vm1 =	vlt.f32 v23, v18;
	vm2 =	vlt.f32 v25, v18  }
0x31: {  	v18 =	vmov s21;
	v41 =	vperm.xlane v33, v4;
	vm3 =	vmor vm0, vm1  }
0x32: {  	vm0 =	vmand vm0, vm1;
	v18 =	vshll.u32 v18, $0x3;
	vm2 =	vmand vm2, vm3  }
0x33: {  	v43 =	vperm.xlane v33, v2;
	v18 =	vor.u32 v20, v18;
	vm0 =	vmor vm0, vm2  }
0x34: {  	v22 =	vmul.f32 v19, v19;
	v34 =	vnsel vm0, $0x0, v14;
	v14 =	vbroadcast v18, $0x0  }
0x35: {  	v31 =	vperm.xlane v27, v3;
	vm4 =	vlt.f32 v41, v33  }
0x36: {  	vm8 =	vlt.f32 v43, v33;
	v39 =	vadd.f32 v30, v22;
	v24 =	vor.u32 v9, v14  }
0x37: {  	v22 =	vperm.xlane v27, v4;
	v30 =	vperm.xlane v27, v2;
	v23 =	vor.u32 v10, v14  }
0x38: {  	v37 =	vnsel vm0, $0x0, v17;
	vm0 =	vlt.f32 v31, v27;
	v17 =	vor.u32 v0, v14  }
0x39: {  	v31 =	vperm.xlane v33, v3;
	v42 =	vperm.xlane v39, v3;
	v25 =	vor.u32 v1, v14  }
0x3a: {  	vm1 =	vlt.f32 v22, v27;
	vm2 =	vlt.f32 v30, v27;
	v21 =	vor.u32 v5, v14  }
0x3b: {  	v27 =	vperm.xlane v39, v4;
	v60 =	vperm.xlane v39, v2;
	v20 =	vor.u32 v6, v14;
	v30 =	vld.idx.msk [tilespmem:v24+s3+$0x0], $0xffff  }
0x3c: {  	v18 =	vor.u32 v7, v14;
	v14 =	vor.u32 v8, v14;
	vm3 =	vlt.f32 v31, v33;
	v31 =	vld.idx.msk [tilespmem:v23+s3+$0x0], $0xffff  }
0x3d: {  	vm7 =	vmor vm0, vm1;
	vm0 =	vmand vm0, vm1;
	vm5 =	vlt.f32 v42, v39;
	v22 =	vld.idx.msk [tilespmem:v17+s3+$0x0], $0xffff  }
0x3e: {  	vm6 =	vlt.f32 v27, v39;
	vm9 =	vmor vm3, vm4;
	vm10 =	vlt.f32 v60, v39;
	v27 =	vld.idx.msk [tilespmem:v25+s3+$0x0], $0xffff  }
0x3f: {  	vm2 =	vmand vm2, vm7;
	vm1 =	vmand vm3, vm4;
	vm11 =	vmor vm5, vm6;
	v33 =	vld.idx.msk [tilespmem:v21+s3+$0x0], $0xffff  }
0x40: {  	[tilespmem:v29+s14+$0x0] =	vst.idx.msk $0xffff, v34;
	vm14 =	vmand vm8, vm9;
	vm3 =	vmand vm5, vm6;
	vm2 =	vmor vm0, vm2  }
0x41: {  	vm15 =	vmand vm10, vm11;
	v34 =	vld.idx.msk [tilespmem:v20+s3+$0x0], $0xffff;
	v29 =	vmul.f32 v30, v30;
	v61 =	vmul.f32 v31, v31  }
0x42: {  	vm1 =	vmor vm1, vm14;
	v39 =	vnsel vm2, $0x0, v38;
	v62 =	vmul.f32 v22, v22  }
0x43: {  	[tilespmem:v32+s14+$0x0] =	vst.idx.msk $0xffff, v37;
	v63 =	vmul.f32 v27, v27;
	v37 =	vadd.f32 v61, v29;
	v29 =	vnsel vm2, $0x0, v36  }
0x44: {  	vm0 =	vmor vm3, vm15;
	v38 =	vnsel vm1, $0x0, v40;
	v32 =	vld.idx.msk [tilespmem:v18+s3+$0x0], $0xffff;
	v36 =	vmul.f32 v33, v33;
	[tilespmem:v35+s14+$0x0] =	vst.idx.msk $0xffff, v29  }
0x45: {  	s23 =	simm.s32 $0x100;
	s22 =	simm.s32 $0x4;
	s21 =	sshll.u32 s20, $0x1;
	v29 =	vld.idx.msk [tilespmem:v14+s3+$0x0], $0xffff;
	v35 =	vadd.f32 v63, v62;
	v40 =	vperm.xlane v37, v3;
	v41 =	vperm.xlane v37, v4  }
.LBB2_3:
0x46: {  	s22 =	sadd.s32 $0x4, s22;
	s24 =	sand.u32 $0x780, s23;
	v42 =	vmul.f32 v34, v34;
	v43 =	vperm.xlane v37, v2;
	[tilespmem:v16+s14+$0x0] =	vst.idx.msk $0xffff, v39;
	v26 =	vnsel vm1, $0x0, v26  }
0x47: {  	v16 =	vmovc v25;
	s25 =	sshrl.u32 s22, $0x6;
	v39 =	vmov s24;
	vm1 =	vlt.f32 v40, v37;
	vm2 =	vlt.f32 v41, v37;
	[tilespmem:v15+s14+$0x0] =	vst.idx.msk $0xffff, v38  }
0x48: {  	p1 =	slt.u32 s22, $0x1FC;
	v15 =	vmovc v21;
	v25 =	vmov s25;
	vm3 =	vlt.f32 v43, v37;
	vm4 =	vmor vm1, vm2;
	[tilespmem:v12+s14+$0x0] =	vst.idx.msk $0xffff, v26;
	v12 =	vmovc v20  }
0x49: {  	v38 =	vmovc v33;
	vm1 =	vmand vm1, vm2;
	v20 =	vshll.u32 v25, $0x7;
	vm3 =	vmand vm3, vm4;
	v26 =	vmovc v34  }
0x4a: {  	v21 =	vshll.u32 v39, $0x3;
	v20 =	vand.u32 $0x380, v20;
	vm1 =	vmor vm1, vm3  }
0x4b: {  	v33 =	vmul.f32 v32, v32;
	v20 =	vor.u32 v20, v21;
	v21 =	vnsel vm1, $0x0, v30  }
0x4c: {  	v34 =	vmul.f32 v29, v29;
	v30 =	vbroadcast v20, $0x0;
	[tilespmem:v24+s14+$0x0] =	vst.idx.msk $0xffff, v21;
	v20 =	vnsel vm1, $0x0, v31  }
0x4d: {  	v36 =	vadd.f32 v42, v36;
	v37 =	vnsel vm0, $0x0, v19;
	v31 =	vperm.xlane v35, v3;
	[tilespmem:v23+s14+$0x0] =	vst.idx.msk $0xffff, v20  }
0x4e: {  	v19 =	vmovc v32;
	v40 =	vor.u32 v0, v30;
	v25 =	vor.u32 v1, v30;
	v24 =	vor.u32 v9, v30  }
0x4f: {  	v21 =	vor.u32 v5, v30;
	v20 =	vor.u32 v6, v30;
	v23 =	vor.u32 v10, v30  }
0x50: {  	v34 =	vadd.f32 v34, v33;
	v32 =	vor.u32 v7, v30;
	v39 =	vor.u32 v8, v30  }
0x51: {  	v33 =	vperm.xlane v36, v3;
	vm1 =	vlt.f32 v31, v35;
	v31 =	vperm.xlane v35, v4  }
0x52: {  	v41 =	vperm.xlane v36, v4;
	v42 =	vperm.xlane v34, v3;
	[tilespmem:v13+s14+$0x0] =	vst.idx.msk $0xffff, v37;
	v13 =	vnsel vm0, $0x0, v28  }
0x53: {  	v28 =	vperm.xlane v35, v2;
	vm0 =	vlt.f32 v31, v35;
	v37 =	vperm.xlane v34, v4;
	v30 =	vld.idx.msk [tilespmem:v24+s3+$0x0], $0xffff  }
0x54: {  	v43 =	vperm.xlane v36, v2;
	vm2 =	vlt.f32 v33, v36;
	v44 =	vperm.xlane v34, v2;
	v31 =	vld.idx.msk [tilespmem:v23+s3+$0x0], $0xffff  }
0x55: {  	vm3 =	vlt.f32 v41, v36;
	vm4 =	vlt.f32 v42, v34;
	vm5 =	vlt.f32 v37, v34;
	v45 =	vld.idx.msk [tilespmem:v40+s3+$0x0], $0xffff  }
0x56: {  	vm7 =	vmor vm2, vm3;
	vm6 =	vmor vm1, vm0;
	vm8 =	vmor vm4, vm5;
	v42 =	vld.idx.msk [tilespmem:v25+s3+$0x0], $0xffff;
	[tilespmem:v11+s14+$0x0] =	vst.idx.msk $0xffff, v13;
	v13 =	vmovc v18  }
0x57: {  	vm10 =	vlt.f32 v43, v36;
	vm11 =	vlt.f32 v44, v34;
	vm9 =	vlt.f32 v28, v35;
	v33 =	vld.idx.msk [tilespmem:v21+s3+$0x0], $0xffff  }
0x58: {  	vm7 =	vmand vm10, vm7;
	vm6 =	vmand vm9, vm6;
	vm8 =	vmand vm11, vm8;
	v18 =	vmovc v32;
	v11 =	vmovc v14;
	v34 =	vld.idx.msk [tilespmem:v20+s3+$0x0], $0xffff  }
0x59: {  	vm0 =	vmand vm1, vm0;
	vm1 =	vmand vm2, vm3;
	vm2 =	vmand vm4, vm5;
	v14 =	vmovc v39;
	v28 =	vmovc v29;
	v32 =	vld.idx.msk [tilespmem:v32+s3+$0x0], $0xffff  }
.Ltmp2:
0x5a: {  	vm3 =	vmor vm0, vm6;
	v35 =	vmul.f32 v30, v30;
	v36 =	vmul.f32 v31, v31;
	v29 =	vld.idx.msk [tilespmem:v39+s3+$0x0], $0xffff;
	(pc) =	sbr.rel @p1 .LBB2_3-.Ltmp2, $4  }
0x5b: {  	vm1 =	vmor vm1, vm7;
	vm0 =	vmor vm2, vm8;
	v41 =	vmul.f32 v45, v45  }
0x5c: {  	v43 =	vmul.f32 v42, v42;
	v37 =	vadd.f32 v36, v35;
	v35 =	vnsel vm3, $0x0, v22;
	v22 =	vmovc v45  }
0x5d: {  	v38 =	vnsel vm1, $0x0, v38;
	v39 =	vnsel vm3, $0x0, v27;
	v36 =	vmul.f32 v33, v33;
	[tilespmem:v17+s14+$0x0] =	vst.idx.msk $0xffff, v35;
	v17 =	vmovc v40  }
0x5e: {  	s23 =	sadd.s32 $0x80, s23;
	v27 =	vmovc v42;
	v35 =	vadd.f32 v43, v41;
	v40 =	vperm.xlane v37, v3;
	v41 =	vperm.xlane v37, v4  }
0x5f: {  	v42 =	vperm.xlane v37, v2;
	v47 =	vmul.f32 v34, v34  }
0x60: {  	v48 =	vmul.f32 v32, v32;
	v49 =	vmul.f32 v29, v29;
	v26 =	vnsel vm1, $0x0, v26  }
0x61: {  	v53 =	vnsel vm0, $0x0, v19;
	v58 =	vnsel vm0, $0x0, v28;
	vm2 =	vlt.f32 v40, v37  }
0x62: {  	vm3 =	vlt.f32 v41, v37;
	v51 =	vperm.xlane v35, v3;
	v54 =	vperm.xlane v35, v4  }
0x63: {  	v59 =	vperm.xlane v35, v2;
	vm4 =	vlt.f32 v42, v37;
	vm5 =	vmor vm2, vm3  }
0x64: {  	vm2 =	vmand vm2, vm3;
	v36 =	vadd.f32 v47, v36;
	v52 =	vadd.f32 v49, v48  }
0x65: {  	[tilespmem:v16+s14+$0x0] =	vst.idx.msk $0xffff, v39;
	vm4 =	vmand vm4, vm5;
	vm1 =	vlt.f32 v51, v35;
	vm12 =	vlt.f32 v54, v35  }
0x66: {  	vm7 =	vlt.f32 v59, v35;
	v55 =	vperm.xlane v36, v3;
	v56 =	vperm.xlane v36, v4  }
0x67: {  	[tilespmem:v15+s14+$0x0] =	vst.idx.msk $0xffff, v38;
	vm2 =	vmor vm2, vm4;
	v57 =	vperm.xlane v52, v3;
	v60 =	vperm.xlane v52, v4  }
0x68: {  	[tilespmem:v12+s14+$0x0] =	vst.idx.msk $0xffff, v26;
	v61 =	vperm.xlane v36, v2;
	v62 =	vperm.xlane v52, v2;
	vm6 =	vmor vm1, vm12  }
0x69: {  	[tilespmem:v13+s14+$0x0] =	vst.idx.msk $0xffff, v53;
	vm0 =	vmand vm1, vm12;
	v30 =	vnsel vm2, $0x0, v30;
	v50 =	vnsel vm2, $0x0, v31  }
0x6a: {  	[tilespmem:v11+s14+$0x0] =	vst.idx.msk $0xffff, v58;
	vm6 =	vmand vm7, vm6;
	vm13 =	vlt.f32 v55, v36;
	vm14 =	vlt.f32 v56, v36  }
0x6b: {  	vm4 =	vlt.f32 v57, v52;
	vm15 =	vlt.f32 v60, v52;
	vm11 =	vlt.f32 v61, v36  }
0x6c: {  	[tilespmem:v24+s14+$0x0] =	vst.idx.msk $0xffff, v30;
	vm0 =	vmor vm0, vm6;
	vm8 =	vmor vm13, vm14;
	vm10 =	vmor vm4, vm15  }
0x6d: {  	[tilespmem:v23+s14+$0x0] =	vst.idx.msk $0xffff, v50;
	vm2 =	vmand vm13, vm14;
	v11 =	vnsel vm0, $0x0, v22;
	vm12 =	vmand vm11, vm8  }
0x6e: {  	vm13 =	vlt.f32 v62, v52;
	[tilespmem:v17+s14+$0x0] =	vst.idx.msk $0xffff, v11;
	v11 =	vnsel vm0, $0x0, v27;
	vm2 =	vmor vm2, vm12  }
0x6f: {  	p1 =	sne.s32 s20, $0x17;
	vm15 =	vmand vm4, vm15;
	vm14 =	vmand vm13, vm10;
	[tilespmem:v25+s14+$0x0] =	vst.idx.msk $0xffff, v11;
	v63 =	vnsel vm2, $0x0, v33  }
.Ltmp3:
0x70: {  	s22 =	sshll.u32 s20, $0xF;
	vm0 =	vmor vm15, vm14;
	v11 =	vnsel vm2, $0x0, v34;
	[tilespmem:v21+s14+$0x0] =	vst.idx.msk $0xffff, v63;
	(pc) =	sbr.rel @p1 .LBB2_6-.Ltmp3, $4  }
0x71: {  	s22 =	sadd.s32 s7, s22;
	[tilespmem:v20+s14+$0x0] =	vst.idx.msk $0xffff, v11;
	v11 =	vnsel vm0, $0x0, v32  }
0x72: {  	s22 =	sshrl.u32 s22, $0x3;
	[tilespmem:v18+s14+$0x0] =	vst.idx.msk $0xffff, v11;
	v11 =	vnsel vm0, $0x0, v29  }
0x73: {  	s22 =	sadd.s32 s4, s22;
	[tilespmem:v14+s14+$0x0] =	vst.idx.msk $0xffff, v11  }
0x74: {  	[hbm4b:s22+s3] =	stream.linear.scatter [tilespmem:s14], [sflag:$0x3], $0x4000, $0x38;
	[tilespmem:$0x10000] =	vst v63  }
.Ltmp4:
0x75: {  	(pc) =	sbr.rel .LBB2_7-.Ltmp4, $4  }
0x76: {  	_ = 	snop  }
0x77: {  	_ =	swait.ge [sflag:s15], $0x4000  }
0x78: {  	[sflag:s15] =	ssyncset.done $0x0  }
0x79: {  	[sflag:s15] =	ssyncadd.s32 $0xFFFFC000  }
.LBB2_6:
0x7a: {  	s22 =	sadd.s32 s21, s8  }
0x7b: {  	s22 =	sshll.u32 s22, $0xB  }
0x7c: {  	s22 =	sand.u32 $0x1FFFF000, s22  }
.Ltmp5:
0x7d: {  	s22 =	sadd.s32 s0, s22;
	(pc) =	sbr.rel @p0 .LBB2_8-.Ltmp5, $4  }
0x7e: {  	[tilespmem:s3], [sflag:$0x1] =	stream.linear.gather [hbm4b:s22+s3], $0x4000, $0x38;
	[tilespmem:$0x10000] =	vst v63  }
0x7f: {  	_ =	swait.ge [sflag:s15], $0x4000  }
0x80: {  	[sflag:s15] =	ssyncset.done $0x0  }
0x81: {  	[sflag:s15] =	ssyncadd.s32 $0xFFFFC000  }
.LBB2_7:
0x82: {  	_ =	swait.ge [sflag:s16], $0x4000  }
0x83: {  	[sflag:s16] =	ssyncset.done $0x0  }
0x84: {  	[sflag:s16] =	ssyncadd.s32 $0xFFFFC000  }
.LBB2_8:
0x85: {  	s22 =	simm.s32 $0x0;
	s23 =	simm.s32 $0x0  }
0x86: {  	s22 =	sand.u32 $0x780, s22;
	v11 =	vmov s23  }
0x87: {  	v12 =	vmov s22;
	v11 =	vshll.u32 v11, $0x7  }
0x88: {  	v12 =	vshll.u32 v12, $0x3;
	v11 =	vand.u32 $0x380, v11  }
0x89: {  	v11 =	vor.u32 v11, v12  }
0x8a: {  	v11 =	vbroadcast v11, $0x0;
	_ =	sdelay $0x1  }
0x8b: {  	v29 =	vor.u32 v9, v11  }
0x8c: {  	v33 =	vor.u32 v10, v11  }
0x8d: {  	v35 =	vor.u32 v0, v11  }
0x8e: {  	v16 =	vor.u32 v1, v11;
	_ =	sdelay $0x1  }
0x8f: {  	v14 =	vor.u32 v5, v11;
	v15 =	vld.idx.msk [tilespmem:v29+s12+$0x0], $0xffff  }
0x90: {  	v12 =	vor.u32 v6, v11;
	v17 =	vld.idx.msk [tilespmem:v33+s12+$0x0], $0xffff  }
0x91: {  	v36 =	vld.idx.msk [tilespmem:v35+s12+$0x0], $0xffff  }
0x92: {  	v13 =	vor.u32 v7, v11;
	v11 =	vor.u32 v8, v11;
	v38 =	vld.idx.msk [tilespmem:v16+s12+$0x0], $0xffff;
	_ =	sdelay $0x1  }
0x93: {  	v40 =	vld.idx.msk [tilespmem:v14+s12+$0x0], $0xffff  }
0x94: {  	v26 =	vld.idx.msk [tilespmem:v12+s12+$0x0], $0xffff  }
0x95: {  	v18 =	vmul.f32 v15, v15;
	v19 =	vmul.f32 v17, v17  }
0x96: {  	v28 =	vld.idx.msk [tilespmem:v11+s12+$0x0], $0xffff;
	v20 =	vmul.f32 v36, v36;
	v21 =	vmul.f32 v38, v38  }
0x97: {  	v18 =	vadd.f32 v19, v18  }
0x98: {  	s31 =	simm.s32 $0x0;
	v24 =	vmul.f32 v40, v40;
	v27 =	vadd.f32 v21, v20  }
0x99: {  	v20 =	vmov s31;
	v21 =	vmul.f32 v26, v26;
	v22 =	vperm.xlane v18, v3  }
0x9a: {  	v20 =	vshll.u32 v20, $0x7;
	v23 =	vperm.xlane v18, v4;
	v25 =	vperm.xlane v18, v2  }
0x9b: {  	s30 =	simm.s32 $0x80;
	v30 =	vmul.f32 v28, v28;
	v19 =	vld.idx.msk [tilespmem:v13+s12+$0x0], $0xffff;
	v20 =	vand.u32 $0x380, v20;
	v32 =	vadd.f32 v21, v24  }
0x9c: {  	s22 =	sand.u32 $0x780, s30;
	vm0 =	vlt.f32 v22, v18;
	vm1 =	vlt.f32 v23, v18;
	vm2 =	vlt.f32 v25, v18  }
0x9d: {  	v18 =	vmov s22;
	v41 =	vperm.xlane v32, v4;
	vm3 =	vmor vm0, vm1  }
0x9e: {  	vm0 =	vmand vm0, vm1;
	v18 =	vshll.u32 v18, $0x3;
	vm2 =	vmand vm2, vm3  }
0x9f: {  	v43 =	vperm.xlane v32, v2;
	v18 =	vor.u32 v20, v18;
	vm0 =	vmor vm0, vm2  }
0xa0: {  	v22 =	vmul.f32 v19, v19;
	v34 =	vnsel vm0, $0x0, v15;
	v15 =	vbroadcast v18, $0x0  }
0xa1: {  	v31 =	vperm.xlane v27, v3;
	vm4 =	vlt.f32 v41, v32  }
0xa2: {  	vm8 =	vlt.f32 v43, v32;
	v39 =	vadd.f32 v30, v22;
	v24 =	vor.u32 v9, v15  }
0xa3: {  	v22 =	vperm.xlane v27, v4;
	v30 =	vperm.xlane v27, v2;
	v23 =	vor.u32 v10, v15  }
0xa4: {  	v37 =	vnsel vm0, $0x0, v17;
	vm0 =	vlt.f32 v31, v27;
	v17 =	vor.u32 v0, v15  }
0xa5: {  	v31 =	vperm.xlane v32, v3;
	v42 =	vperm.xlane v39, v3;
	v25 =	vor.u32 v1, v15  }
0xa6: {  	vm1 =	vlt.f32 v22, v27;
	vm2 =	vlt.f32 v30, v27;
	v20 =	vor.u32 v5, v15  }
0xa7: {  	v27 =	vperm.xlane v39, v4;
	v60 =	vperm.xlane v39, v2;
	v21 =	vor.u32 v6, v15;
	v30 =	vld.idx.msk [tilespmem:v24+s12+$0x0], $0xffff  }
0xa8: {  	v18 =	vor.u32 v7, v15;
	v15 =	vor.u32 v8, v15;
	vm3 =	vlt.f32 v31, v32;
	v31 =	vld.idx.msk [tilespmem:v23+s12+$0x0], $0xffff  }
0xa9: {  	vm7 =	vmor vm0, vm1;
	vm0 =	vmand vm0, vm1;
	vm5 =	vlt.f32 v42, v39;
	v22 =	vld.idx.msk [tilespmem:v17+s12+$0x0], $0xffff  }
0xaa: {  	vm6 =	vlt.f32 v27, v39;
	vm9 =	vmor vm3, vm4;
	vm10 =	vlt.f32 v60, v39;
	v27 =	vld.idx.msk [tilespmem:v25+s12+$0x0], $0xffff  }
0xab: {  	vm2 =	vmand vm2, vm7;
	vm1 =	vmand vm3, vm4;
	vm11 =	vmor vm5, vm6;
	v32 =	vld.idx.msk [tilespmem:v20+s12+$0x0], $0xffff  }
0xac: {  	[tilespmem:v29+s17+$0x0] =	vst.idx.msk $0xffff, v34;
	vm14 =	vmand vm8, vm9;
	vm3 =	vmand vm5, vm6;
	vm2 =	vmor vm0, vm2  }
0xad: {  	vm15 =	vmand vm10, vm11;
	v34 =	vld.idx.msk [tilespmem:v21+s12+$0x0], $0xffff;
	v29 =	vmul.f32 v30, v30;
	v61 =	vmul.f32 v31, v31  }
0xae: {  	vm1 =	vmor vm1, vm14;
	v39 =	vnsel vm2, $0x0, v38;
	v62 =	vmul.f32 v22, v22  }
0xaf: {  	[tilespmem:v33+s17+$0x0] =	vst.idx.msk $0xffff, v37;
	v63 =	vmul.f32 v27, v27;
	v37 =	vadd.f32 v61, v29;
	v29 =	vnsel vm2, $0x0, v36  }
0xb0: {  	vm0 =	vmor vm3, vm15;
	v38 =	vnsel vm1, $0x0, v40;
	v33 =	vld.idx.msk [tilespmem:v18+s12+$0x0], $0xffff;
	v36 =	vmul.f32 v32, v32;
	[tilespmem:v35+s17+$0x0] =	vst.idx.msk $0xffff, v29  }
0xb1: {  	s23 =	simm.s32 $0x100;
	s22 =	simm.s32 $0x4;
	v29 =	vld.idx.msk [tilespmem:v15+s12+$0x0], $0xffff;
	v35 =	vadd.f32 v63, v62;
	v40 =	vperm.xlane v37, v3;
	v41 =	vperm.xlane v37, v4  }
.LBB2_9:
0xb2: {  	s22 =	sadd.s32 $0x4, s22;
	s24 =	sand.u32 $0x780, s23;
	v42 =	vmul.f32 v34, v34;
	v43 =	vperm.xlane v37, v2;
	[tilespmem:v16+s17+$0x0] =	vst.idx.msk $0xffff, v39;
	v26 =	vnsel vm1, $0x0, v26  }
0xb3: {  	v16 =	vmovc v25;
	s25 =	sshrl.u32 s22, $0x6;
	v39 =	vmov s24;
	vm1 =	vlt.f32 v40, v37;
	vm2 =	vlt.f32 v41, v37;
	[tilespmem:v14+s17+$0x0] =	vst.idx.msk $0xffff, v38  }
0xb4: {  	p0 =	slt.u32 s22, $0x1FC;
	v14 =	vmovc v20;
	v25 =	vmov s25;
	vm3 =	vlt.f32 v43, v37;
	vm4 =	vmor vm1, vm2;
	[tilespmem:v12+s17+$0x0] =	vst.idx.msk $0xffff, v26;
	v12 =	vmovc v21  }
0xb5: {  	v38 =	vmovc v32;
	vm1 =	vmand vm1, vm2;
	v20 =	vshll.u32 v25, $0x7;
	vm3 =	vmand vm3, vm4;
	v26 =	vmovc v34  }
0xb6: {  	v21 =	vshll.u32 v39, $0x3;
	v20 =	vand.u32 $0x380, v20;
	vm1 =	vmor vm1, vm3  }
0xb7: {  	v32 =	vmul.f32 v33, v33;
	v20 =	vor.u32 v20, v21;
	v21 =	vnsel vm1, $0x0, v30  }
0xb8: {  	v34 =	vmul.f32 v29, v29;
	v30 =	vbroadcast v20, $0x0;
	[tilespmem:v24+s17+$0x0] =	vst.idx.msk $0xffff, v21;
	v20 =	vnsel vm1, $0x0, v31  }
0xb9: {  	v36 =	vadd.f32 v42, v36;
	v37 =	vnsel vm0, $0x0, v19;
	v31 =	vperm.xlane v35, v3;
	[tilespmem:v23+s17+$0x0] =	vst.idx.msk $0xffff, v20  }
0xba: {  	v19 =	vmovc v33;
	v40 =	vor.u32 v0, v30;
	v25 =	vor.u32 v1, v30;
	v24 =	vor.u32 v9, v30  }
0xbb: {  	v20 =	vor.u32 v5, v30;
	v21 =	vor.u32 v6, v30;
	v23 =	vor.u32 v10, v30  }
0xbc: {  	v34 =	vadd.f32 v34, v32;
	v33 =	vor.u32 v7, v30;
	v39 =	vor.u32 v8, v30  }
0xbd: {  	v32 =	vperm.xlane v36, v3;
	vm1 =	vlt.f32 v31, v35;
	v31 =	vperm.xlane v35, v4  }
0xbe: {  	v41 =	vperm.xlane v36, v4;
	v42 =	vperm.xlane v34, v3;
	[tilespmem:v13+s17+$0x0] =	vst.idx.msk $0xffff, v37;
	v13 =	vnsel vm0, $0x0, v28  }
0xbf: {  	v28 =	vperm.xlane v35, v2;
	vm0 =	vlt.f32 v31, v35;
	v37 =	vperm.xlane v34, v4;
	v30 =	vld.idx.msk [tilespmem:v24+s12+$0x0], $0xffff  }
0xc0: {  	v43 =	vperm.xlane v36, v2;
	vm2 =	vlt.f32 v32, v36;
	v44 =	vperm.xlane v34, v2;
	v31 =	vld.idx.msk [tilespmem:v23+s12+$0x0], $0xffff  }
0xc1: {  	vm3 =	vlt.f32 v41, v36;
	vm4 =	vlt.f32 v42, v34;
	vm5 =	vlt.f32 v37, v34;
	v45 =	vld.idx.msk [tilespmem:v40+s12+$0x0], $0xffff  }
0xc2: {  	vm7 =	vmor vm2, vm3;
	vm6 =	vmor vm1, vm0;
	vm8 =	vmor vm4, vm5;
	v42 =	vld.idx.msk [tilespmem:v25+s12+$0x0], $0xffff;
	[tilespmem:v11+s17+$0x0] =	vst.idx.msk $0xffff, v13;
	v13 =	vmovc v18  }
0xc3: {  	vm10 =	vlt.f32 v43, v36;
	vm11 =	vlt.f32 v44, v34;
	vm9 =	vlt.f32 v28, v35;
	v32 =	vld.idx.msk [tilespmem:v20+s12+$0x0], $0xffff  }
0xc4: {  	vm7 =	vmand vm10, vm7;
	vm6 =	vmand vm9, vm6;
	vm8 =	vmand vm11, vm8;
	v18 =	vmovc v33;
	v11 =	vmovc v15;
	v34 =	vld.idx.msk [tilespmem:v21+s12+$0x0], $0xffff  }
0xc5: {  	vm0 =	vmand vm1, vm0;
	vm1 =	vmand vm2, vm3;
	vm2 =	vmand vm4, vm5;
	v15 =	vmovc v39;
	v28 =	vmovc v29;
	v33 =	vld.idx.msk [tilespmem:v33+s12+$0x0], $0xffff  }
.Ltmp6:
0xc6: {  	vm3 =	vmor vm0, vm6;
	v35 =	vmul.f32 v30, v30;
	v36 =	vmul.f32 v31, v31;
	v29 =	vld.idx.msk [tilespmem:v39+s12+$0x0], $0xffff;
	(pc) =	sbr.rel @p0 .LBB2_9-.Ltmp6, $4  }
0xc7: {  	vm1 =	vmor vm1, vm7;
	vm0 =	vmor vm2, vm8;
	v41 =	vmul.f32 v45, v45  }
0xc8: {  	v43 =	vmul.f32 v42, v42;
	v37 =	vadd.f32 v36, v35;
	v35 =	vnsel vm3, $0x0, v22;
	v22 =	vmovc v45  }
0xc9: {  	v38 =	vnsel vm1, $0x0, v38;
	v39 =	vnsel vm3, $0x0, v27;
	v36 =	vmul.f32 v32, v32;
	[tilespmem:v17+s17+$0x0] =	vst.idx.msk $0xffff, v35;
	v17 =	vmovc v40  }
0xca: {  	s23 =	sadd.s32 $0x80, s23;
	v27 =	vmovc v42;
	v35 =	vadd.f32 v43, v41;
	v40 =	vperm.xlane v37, v3;
	v41 =	vperm.xlane v37, v4  }
0xcb: {  	v42 =	vperm.xlane v37, v2;
	v47 =	vmul.f32 v34, v34  }
0xcc: {  	v48 =	vmul.f32 v33, v33;
	v49 =	vmul.f32 v29, v29;
	v26 =	vnsel vm1, $0x0, v26  }
0xcd: {  	v53 =	vnsel vm0, $0x0, v19;
	v58 =	vnsel vm0, $0x0, v28;
	vm2 =	vlt.f32 v40, v37  }
0xce: {  	vm3 =	vlt.f32 v41, v37;
	v51 =	vperm.xlane v35, v3;
	v54 =	vperm.xlane v35, v4  }
0xcf: {  	v59 =	vperm.xlane v35, v2;
	vm4 =	vlt.f32 v42, v37;
	vm5 =	vmor vm2, vm3  }
0xd0: {  	vm2 =	vmand vm2, vm3;
	v36 =	vadd.f32 v47, v36;
	v52 =	vadd.f32 v49, v48  }
0xd1: {  	[tilespmem:v16+s17+$0x0] =	vst.idx.msk $0xffff, v39;
	vm4 =	vmand vm4, vm5;
	vm1 =	vlt.f32 v51, v35;
	vm12 =	vlt.f32 v54, v35  }
0xd2: {  	vm7 =	vlt.f32 v59, v35;
	v55 =	vperm.xlane v36, v3;
	v56 =	vperm.xlane v36, v4  }
0xd3: {  	[tilespmem:v14+s17+$0x0] =	vst.idx.msk $0xffff, v38;
	vm2 =	vmor vm2, vm4;
	v57 =	vperm.xlane v52, v3;
	v60 =	vperm.xlane v52, v4  }
0xd4: {  	[tilespmem:v12+s17+$0x0] =	vst.idx.msk $0xffff, v26;
	v61 =	vperm.xlane v36, v2;
	v62 =	vperm.xlane v52, v2;
	vm6 =	vmor vm1, vm12  }
0xd5: {  	[tilespmem:v13+s17+$0x0] =	vst.idx.msk $0xffff, v53;
	vm0 =	vmand vm1, vm12;
	v30 =	vnsel vm2, $0x0, v30;
	v50 =	vnsel vm2, $0x0, v31  }
0xd6: {  	[tilespmem:v11+s17+$0x0] =	vst.idx.msk $0xffff, v58;
	vm6 =	vmand vm7, vm6;
	vm13 =	vlt.f32 v55, v36;
	vm14 =	vlt.f32 v56, v36  }
0xd7: {  	vm4 =	vlt.f32 v57, v52;
	vm15 =	vlt.f32 v60, v52;
	vm11 =	vlt.f32 v61, v36  }
0xd8: {  	[tilespmem:v24+s17+$0x0] =	vst.idx.msk $0xffff, v30;
	vm0 =	vmor vm0, vm6;
	vm8 =	vmor vm13, vm14;
	vm10 =	vmor vm4, vm15  }
0xd9: {  	[tilespmem:v23+s17+$0x0] =	vst.idx.msk $0xffff, v50;
	vm2 =	vmand vm13, vm14;
	v11 =	vnsel vm0, $0x0, v22;
	vm12 =	vmand vm11, vm8  }
0xda: {  	vm13 =	vlt.f32 v62, v52;
	[tilespmem:v17+s17+$0x0] =	vst.idx.msk $0xffff, v11;
	v11 =	vnsel vm0, $0x0, v27;
	vm2 =	vmor vm2, vm12  }
0xdb: {  	p0 =	seq.s32 s20, $0x17;
	vm15 =	vmand vm4, vm15;
	vm14 =	vmand vm13, vm10;
	[tilespmem:v25+s17+$0x0] =	vst.idx.msk $0xffff, v11;
	v63 =	vnsel vm2, $0x0, v32  }
.Ltmp7:
0xdc: {  	vm0 =	vmor vm15, vm14;
	v11 =	vnsel vm2, $0x0, v34;
	[tilespmem:v20+s17+$0x0] =	vst.idx.msk $0xffff, v63;
	(pc) =	sbr.rel @p0 .LBB2_12-.Ltmp7, $4  }
0xdd: {  	[tilespmem:v21+s17+$0x0] =	vst.idx.msk $0xffff, v11;
	v11 =	vnsel vm0, $0x0, v33  }
0xde: {  	s22 =	sshll.u32 s20, $0xC;
	[tilespmem:v18+s17+$0x0] =	vst.idx.msk $0xffff, v11;
	v11 =	vnsel vm0, $0x0, v29  }
0xdf: {  	s22 =	sadd.s32 s11, s22;
	[tilespmem:v15+s17+$0x0] =	vst.idx.msk $0xffff, v11  }
0xe0: {  	[hbm4b:s22+s3] =	stream.linear.scatter [tilespmem:s17], [sflag:$0x4], $0x4000, $0x38;
	[tilespmem:$0x10000] =	vst v63  }
.Ltmp8:
0xe1: {  	(pc) =	sbr.rel .LBB2_2-.Ltmp8, $4  }
0xe2: {  	s21 =	sadd.s32 s21, s9  }
0xe3: {  	s21 =	sshll.u32 s21, $0xB  }
0xe4: {  	s20 =	sadd.s32 $0x1, s20;
	s21 =	sadd.s32 s0, s21  }
0xe5: {  	[tilespmem:s12], [sflag:$0x2] =	stream.linear.gather [hbm4b:s21+s3], $0x4000, $0x38;
	[tilespmem:$0x10000] =	vst v63  }
.LBB2_13:
0xe6: {  	_ =	sfence.sel $0x180000  }
0xe7: {  	[bflag:$0x0] =	sbarrier.arrive $0xFFFF  }
0xe8: {  	p0 =	sne.s32 s1, $0x0;
	_ =	strace $0x9000004A  }
0xe9: {  	s0 =	sadd.s32 @!p0 $0x100000, s2;
	[bflag:$0x2] =	sbarrier.arrive $0xFFFF  }
0xea: {  	[sflag:s0] =	ssyncadd.tile.s32 @!p0 $0x1;
	_ =	shalt  }
.Lfunc_end2:
_tile_overlayer_lowered:
.L_overlay_start_2:
0xeb: {  	(tag) =	ssettag $0x2  }
0xec: {  	s0 =	rddreg [dreg:$0x0];
	s2 =	stileid.u32  }
0xed: {  	s1 =	rddreg [dreg:$0x1];
	p0 =	sne.s32 s2, $0x0  }
0xee: {  	s3 =	rddreg [dreg:$0x2];
	[bflag:$0x3] =	sbarrier.arrive $0xFFFF;
	s2 =	simm.s32 @!p0 $0x1C05  }
0xef: {  	[timem:s3], [sflag:s2] =	dma.local @!p0 [hbm:s0], s1  }
0xf0: {  	s0 =	simm.s32 @!p0 $0x5  }
0xf1: {  	_ =	swait.ge @!p0 [sflag:s0], s1  }
0xf2: {  	s1 =	ssub.s32 @!p0 $0x0, s1;
	[sflag:s0] =	ssyncset.done @!p0 $0x0  }
0xf3: {  	[sflag:s0] =	ssyncadd.s32 @!p0 s1  }
0xf4: {  	[bflag:$0x3] =	sbarrier.arrive $0xFFFF  }
0xf5: {  	_ =	shalt  }

// kernel: kernel.7.cloned.1.call-start
scs
__scs_entry_jumppad:
0x0: {  	(pc) =	sbr.rel $0x88, $3  }
0x1: {  	(tag) =	ssettag $0x0;
	lr =	simm.s32 $0x1  }
0x2: {  	[smem:$0x3FA0] =	sst lr;
	_ =	strace $0xD0000000  }
0x3: {  	_ = 	snop  }
0x4: {  	_ = 	snop  }
0x5: {  	_ = 	snop  }
0x6: {  	_ = 	snop  }
0x7: {  	_ = 	snop  }
__scs_overlays_trampoline_lowered:
0x8: {  	[smem:$0x3FAF] =	sst s0  }
0x9: {  	[smem:$0x3FB0] =	sst s1  }
0xa: {  	[smem:$0x3FB1] =	sst s2  }
0xb: {  	[smem:$0x3FB2] =	sst s3  }
0xc: {  	[smem:$0x3FB3] =	sst s4  }
0xd: {  	[smem:$0x3FB4] =	sst s5  }
0xe: {  	[smem:$0x3FB5] =	sst s6  }
0xf: {  	[smem:$0x3FB6] =	sst s7  }
0x10: {  	[smem:$0x3FB7] =	sst s8  }
0x11: {  	[smem:$0x3FB8] =	sst s9;
	s0 =	simm.s32 @!p0 $0x0  }
0x12: {  	s1 =	sld [smem:$0x3F9E];
	s0 =	simm.s32 @p0 $0x1  }
0x13: {  	[smem:$0x3FB9] =	sst s0;
	s0 =	simm.s32 @!p1 $0x0  }
0x14: {  	s2 =	sld [smem:$0x3F9D];
	s0 =	simm.s32 @p1 $0x1  }
0x15: {  	[smem:$0x3FBA] =	sst s0;
	s0 =	simm.s32 @!p2 $0x0  }
0x16: {  	s3 =	sld [smem:$0x3FDB];
	s0 =	simm.s32 @p2 $0x1  }
0x17: {  	s4 =	simm.s32 $0x1BF5;
	[smem:$0x3FBC] =	sst s0  }
0x18: {  	s0 =	sld [smem:$0x3F9F];
	_ =	swait.ge [sflag:s4], $0x0  }
0x19: {  	s7 =	sld [smem:$0x3FA0]  }
0x1a: {  	s8 =	sadd.s32 $0xFFFFE003, lr  }
0x1b: {  	s9 =	sadd.s32 $0xFFFFFEF7, lr;
	s5 =	simm.s32 $0xFFFFFFFF;
	p2 =	slt.u32 s8, $0xFFFFF086  }
0x1c: {  	p1 =	slt.u32 s9, $0xF7A;
	s5 =	simm.s32 @!p2 $0x0  }
0x1d: {  	s5 =	simm.s32 @p1 $0x1;
	p0 =	seq.s32 s7, s2  }
0x1e: {  	s7 =	smul.u32 @!p0 $0xF7A, s2;
	p2 =	seq.s32 @!p0 s5, $0x0  }
0x1f: {  	s9 =	smul.u32 $0xF7A, s1;
	s8 =	simm.s32 @!p0 $0x1BF5;
	p2 =	por !p2, p0  }
0x20: {  	[sflag:s8] =	ssyncset.s32 @!p0 $0xFFFFF086;
	s6 =	sadd.s32 @!p0 s3, s7;
	s7 =	simm.s32 @!p0 $0x108  }
0x21: {  	s3 =	sadd.s32 s3, s9;
	s6 =	sadd.s32 @!p0 $0x88, s6;
	s7 =	simm.s32 @p2 $0x1082  }
0x22: {  	[simem:s7], [sflag:s8] =	dma.local @!p0 [hbm:s6], $0xF7A  }
0x23: {  	s9 =	sor.u32 $0xD0000000, s2;
	s6 =	simm.s32 $0x108;
	_ =	swait.ge @!p0 [sflag:s8], $0x0  }
0x24: {  	s3 =	sadd.s32 $0x88, s3;
	s6 =	simm.s32 @!p1 $0x1082;
	[sflag:s4] =	ssyncset.s32 $0xFFFFF086  }
0x25: {  	[simem:s6], [sflag:s4] =	dma.local [hbm:s3], $0xF7A  }
0x26: {  	[smem:$0x3FA0] =	sst s1;
	(tag) =	ssettag s2;
	_ =	strace s9  }
0x27: {  	s1 =	sld [smem:$0x3FB0]  }
0x28: {  	s2 =	sld [smem:$0x3FB1]  }
0x29: {  	s4 =	sld [smem:$0x3FB3]  }
0x2a: {  	p0 =	seq.s32 s5, $0x0;
	s5 =	sld [smem:$0x3FB4]  }
0x2b: {  	s6 =	sld [smem:$0x3FB5]  }
0x2c: {  	s7 =	sld [smem:$0x3FB6]  }
0x2d: {  	s3 =	simm.s32 $0x108;
	s8 =	sld [smem:$0x3FB7]  }
0x2e: {  	s3 =	simm.s32 @!p0 $0x1082;
	s9 =	sld [smem:$0x3FB8]  }
0x2f: {  	lr =	sadd.s32 s0, s3;
	s0 =	sld [smem:$0x3FAF]  }
0x30: {  	s3 =	sld [smem:$0x3FB2]  }
0x31: {  	[smem:$0x3FBB] =	sst s10  }
0x32: {  	s10 =	sld [smem:$0x3FB9];
	_ =	sdelay $0x3  }
0x33: {  	p0 =	seq.s32 s10, $0x1;
	s10 =	sld [smem:$0x3FBB];
	_ =	sdelay $0x3  }
0x34: {  	[smem:$0x3FBB] =	sst s10  }
0x35: {  	s10 =	sld [smem:$0x3FBA];
	_ =	sdelay $0x3  }
0x36: {  	p1 =	seq.s32 s10, $0x1;
	s10 =	sld [smem:$0x3FBB];
	_ =	sdelay $0x3  }
0x37: {  	[smem:$0x3FBB] =	sst s10  }
0x38: {  	s10 =	sld [smem:$0x3FBC]  }
0x39: {  	_ = 	snop;
	(pc) =	sbr.ind lr, $3  }
0x3a: {  	_ = 	snop  }
0x3b: {  	_ = 	snop  }
0x3c: {  	p2 =	seq.s32 s10, $0x1;
	s10 =	sld [smem:$0x3FBB]  }
0x3d: {  	_ =	shalt  }
0x3e: {  	_ =	shalt  }
0x3f: {  	_ =	shalt  }
0x40: {  	_ =	shalt  }
0x41: {  	_ =	shalt  }
0x42: {  	_ =	shalt  }
0x43: {  	_ =	shalt  }
0x44: {  	_ =	shalt  }
0x45: {  	_ =	shalt  }
0x46: {  	_ =	shalt  }
0x47: {  	_ =	shalt  }
0x48: {  	_ =	shalt  }
0x49: {  	_ =	shalt  }
0x4a: {  	_ =	shalt  }
0x4b: {  	_ =	shalt  }
0x4c: {  	_ =	shalt  }
0x4d: {  	_ =	shalt  }
0x4e: {  	_ =	shalt  }
0x4f: {  	_ =	shalt  }
0x50: {  	_ =	shalt  }
0x51: {  	_ =	shalt  }
0x52: {  	_ =	shalt  }
0x53: {  	_ =	shalt  }
0x54: {  	_ =	shalt  }
0x55: {  	_ =	shalt  }
0x56: {  	_ =	shalt  }
0x57: {  	_ =	shalt  }
0x58: {  	_ =	shalt  }
0x59: {  	_ =	shalt  }
0x5a: {  	_ =	shalt  }
0x5b: {  	_ =	shalt  }
0x5c: {  	_ =	shalt  }
0x5d: {  	_ =	shalt  }
0x5e: {  	_ =	shalt  }
0x5f: {  	_ =	shalt  }
0x60: {  	_ =	shalt  }
0x61: {  	_ =	shalt  }
0x62: {  	_ =	shalt  }
0x63: {  	_ =	shalt  }
0x64: {  	_ =	shalt  }
0x65: {  	_ =	shalt  }
0x66: {  	_ =	shalt  }
0x67: {  	_ =	shalt  }
0x68: {  	_ =	shalt  }
0x69: {  	_ =	shalt  }
0x6a: {  	_ =	shalt  }
0x6b: {  	_ =	shalt  }
0x6c: {  	_ =	shalt  }
0x6d: {  	_ =	shalt  }
0x6e: {  	_ =	shalt  }
0x6f: {  	_ =	shalt  }
0x70: {  	_ =	shalt  }
0x71: {  	_ =	shalt  }
0x72: {  	_ =	shalt  }
0x73: {  	_ =	shalt  }
0x74: {  	_ =	shalt  }
0x75: {  	_ =	shalt  }
0x76: {  	_ =	shalt  }
0x77: {  	_ =	shalt  }
0x78: {  	_ =	shalt  }
0x79: {  	_ =	shalt  }
0x7a: {  	_ =	shalt  }
0x7b: {  	_ =	shalt  }
0x7c: {  	_ =	shalt  }
0x7d: {  	_ =	shalt  }
0x7e: {  	_ =	shalt  }
0x7f: {  	_ =	shalt  }
0x80: {  	_ =	shalt  }
0x81: {  	_ =	shalt  }
0x82: {  	_ =	shalt  }
0x83: {  	_ =	shalt  }
0x84: {  	_ =	shalt  }
0x85: {  	_ =	shalt  }
0x86: {  	_ =	shalt  }
0x87: {  	_ =	shalt  }
.Lfunc_end0:
.L_simem_size_0:
called_computation.1_lowered:
.L_overlay_start_0:
0x88: {  	s2 =	sld [smem:$0x3FD9]  }
0x89: {  	s3 =	sld [smem:$0x3FFE];
	_ =	sdelay $0x1  }
0x8a: {  	s1 =	srdreg.scid  }
0x8b: {  	s0 =	sand.u32 $0x1, s1  }
0x8c: {  	s17 =	sshll.u32 s0, $0xA;
	s2 =	sadd.s32 s3, s2  }
0x8d: {  	s2 =	sadd.s32 s2, s17  }
0x8e: {  	[smem:$0x3FC7] =	sst s2  }
0x8f: {  	_ = 	snop  }
0x90: {  	s2 =	sld [smem:$0x3FC9];
	(tm) =	ssettm $0x1  }
0x91: {  	s18 =	sld [smem:$0x3FFB];
	_ =	sdelay $0x3  }
0x92: {  	_ =	strace s18  }
0x93: {  	s3 =	sld [smem:$0x3FFC];
	_ =	sdelay $0x3  }
0x94: {  	_ =	strace s3  }
0x95: {  	s3 =	sld [smem:$0x3FFD];
	_ =	sdelay $0x3  }
0x96: {  	_ =	strace s3  }
0x97: {  	_ =	strace $0x8FFFFFFF  }
0x98: {  	s19 =	sld [smem:$0x3FDB];
	_ =	sdelay $0x1  }
0x99: {  	s4 =	simm.s32 $_scs_section_size  }
0x9a: {  	s5 =	simm.s32 $_size__tile_overlayer_lowered;
	s6 =	simm.s32 $_tile_overlayer_lowered  }
0x9b: {  	s22 =	simm.s32 $0x1BFF;
	s21 =	sshll.u32 s6, $0x1;
	s3 =	sadd.s32 s4, s19  }
0x9c: {  	s7 =	simm.s32 $0x0;
	s20 =	sshll.u32 s5, $0x1;
	s5 =	sadd.s32 s21, s3  }
0x9d: {  	[timem:s7], [sflag:s22] =	dma.local [hbm:s5], s20  }
0x9e: {  	_ =	swait.ge [sflag:s22], s20  }
0x9f: {  	s4 =	ssub.s32 $0x0, s20;
	[sflag:s22] =	ssyncset.done $0x0  }
0xa0: {  	[sflag:s22] =	ssyncadd.s32 s4;
	_ =	sdelay $0x1  }
0xa1: {  	s23 =	simm.s32 $0x1B8B  }
0xa2: {  	_ =	swait.ge [sflag:s23], $0x1  }
0xa3: {  	[sflag:s23] =	ssyncset.done $0x0  }
0xa4: {  	s25 =	simm.s32 $0x1B8E;
	s24 =	sld [smem:$0x3FFE];
	[sflag:s23] =	ssyncadd.s32 $0xFFFFFFFF  }
0xa5: {  	s26 =	simm.s32 $execute0_lowered;
	[smem:$0x3FD2] =	sst s25  }
0xa6: {  	s5 =	sshll.u32 s26, $0x1;
	_ =	strace $0x80000046;
	[dreg:$0x1] =	wrdreg $0xFFFFFFFF  }
0xa7: {  	s28 =	simm.s32 $_size_execute0_lowered;
	s3 =	sadd.s32 s3, s5;
	[dreg:$0x0] =	wrdreg $0x0  }
0xa8: {  	s5 =	sshll.u32 s28, $0x1;
	[dreg:$0x2] =	wrdreg s3  }
0xa9: {  	[dreg:$0x3] =	wrdreg s5  }
0xaa: {  	[dreg:$0x4] =	wrdreg $0xC0  }
0xab: {  	_ =	task [dreg:s7], $0x5FFFF  }
0xac: {  	[dreg:$0x1] =	wrdreg $0xFFFFFFFF  }
0xad: {  	[dreg:$0x0] =	wrdreg $0x60  }
0xae: {  	[dreg:$0x2] =	wrdreg s2  }
0xaf: {  	[dreg:$0x3] =	wrdreg s24  }
0xb0: {  	[dreg:$0x4] =	wrdreg $0xA  }
0xb1: {  	_ =	task.clear_ibuf [dreg:s7], $0x5FFFF;
	_ =	strace $0x90000046  }
0xb2: {  	s29 =	simm.s32 $0xA;
	_ =	strace $0x80000048  }
0xb3: {  	_ =	swait.ge [sflag:s29], $0x1  }
0xb4: {  	[sflag:s29] =	ssyncadd.s32 $0xFFFFFFFF  }
0xb5: {  	_ =	strace $0x90000048  }
0xb6: {  	_ =	sfence  }
0xb7: {  	s30 =	sld [smem:$0x0];
	_ =	sdelay $0x2  }
0xb8: {  	s31 =	sshll.u32 s1, $0xD;
	s1 =	sshrl.u32 s1, $0x2  }
0xb9: {  	s3 =	sand.u32 $0x4000, s31;
	s1 =	sadd.s32 s1, s30  }
0xba: {  	s0 =	sor.u32 s3, s0;
	s1 =	sshll.u32 s1, $0x11  }
0xbb: {  	s0 =	sor.u32 s1, s0  }
0xbc: {  	s0 =	sadd.s32 $0x8F2B, s0  }
0xbd: {  	[sflag:s0] =	ssyncadd.remote.s32 $0x1  }
0xbe: {  	_ =	sfence.sel $0xFFFF  }
0xbf: {  	[dreg:$0x0] =	wrdreg $0xFFFFFFFF;
	(pc) =	sbr.abs _section_cstart, $3  }
0xc0: {  	[dreg:$0x1] =	wrdreg $0xFFFFFFFF  }
0xc1: {  	_ =	task.clear_ibuf [dreg:s7], $0x2FFFF;
	_ =	strace $0x9FFFFFFF  }
0xc2: {  	(tm) =	ssettm $0x7FFFFFFF  }
0xc3: {  	_ =	shalt  }
tec
execute0_lowered:
.L_overlay_start_1:
0x0: {  	(tag) =	ssettag $0x1  }
0x1: {  	s0 =	rddreg [dreg:$0x0]  }
0x2: {  	s4 =	rddreg [dreg:$0x1];
	s1 =	simm.s32 $0x0;
	s3 =	srdreg.scid;
	v1 =	vimm.s32 $0xCFED8BA9  }
0x3: {  	v2 =	vimm.s32 $0x47650321;
	v3 =	vimm.s32 $0xDCFE98BA;
	s2 =	stileid.u32;
	s11 =	simm.s32 $0x4000;
	s12 =	simm.s32 $0x1  }
0x4: {  	v0 =	vlaneseq.u32;
	v4 =	vimm.s32 $0x54761032;
	v5 =	vimm.s32 $0xEDCFA98B;
	s13 =	simm.s32 $0x8000;
	s14 =	simm.s32 $0x2;
	s15 =	simm.s32 $0x4  }
0x5: {  	v6 =	vimm.s32 $0x65472103;
	s16 =	simm.s32 $0xC000;
	s17 =	simm.s32 $0x3;
	[smem:$0x7FF] =	sst s1;
	v1 =	vunpack.c.l.s4.s8 v1;
	v2 =	vunpack.c.l.s4.s8 v2  }
0x6: {  	s18 =	simm.s32 $0x0;
	s5 =	sand.u32 $0x1, s3;
	v3 =	vunpack.c.l.s4.s8 v3;
	s3 =	rddreg [dreg:$0x2];
	v4 =	vunpack.c.l.s4.s8 v4;
	v5 =	vunpack.c.l.s4.s8 v5  }
0x7: {  	s6 =	sshll.u32 s2, $0x8;
	v6 =	vunpack.c.l.s4.s8 v6;
	v0 =	vmul.u32 $0x2, v0;
	s7 =	sshll.u32 s5, $0x7;
	s5 =	ssub.s32 $0x2, s5;
	v1 =	vunpack.c.0.s8.s32 v1  }
0x8: {  	_ =	strace $0x80000047;
	s6 =	sor.u32 s7, s6;
	v2 =	vunpack.c.0.s8.s32 v2;
	v3 =	vunpack.c.0.s8.s32 v3;
	s30 =	sshrl.u32 s5, $0x1;
	v4 =	vunpack.c.0.s8.s32 v4  }
.Ltmp0:
0x9: {  	v5 =	vunpack.c.0.s8.s32 v5;
	v6 =	vunpack.c.0.s8.s32 v6;
	v7 =	vor.u32 $0x40, v0;
	s7 =	sshll.u32 s6, $0x8;
	s8 =	sor.u32 $0x3000, s6;
	(pc) =	sbr.rel .LBB2_1-.Ltmp0, $4  }
0xa: {  	v8 =	vor.u32 $0x41, v0;
	v9 =	vor.u32 $0x60, v0;
	s9 =	ssub.s32 s5, s30;
	s10 =	sadd.s32 s7, s4;
	s6 =	sshll.u32 s8, $0x8;
	v2 =	vcombine.low v2, v1  }
0xb: {  	v10 =	vor.u32 $0x61, v0;
	s31 =	sadd.s32 s7, s0;
	s8 =	sshrl.u32 s8, $0x3;
	v3 =	vcombine.low v4, v3;
	v4 =	vcombine.low v6, v5;
	s9 =	smax.u32 s9, $0x1  }
0xc: {  	v1 =	vor.u32 $0x1, v0;
	v5 =	vor.u32 $0x20, v0;
	v6 =	vor.u32 $0x21, v0;
	s4 =	sadd.s32 s0, s6;
	s5 =	sadd.s32 $0x300800, s31;
	s6 =	sadd.s32 $0x800, s10  }
0xd: {  	s7 =	sor.u32 $0x2, s8;
	s8 =	sor.u32 $0x3, s8;
	s10 =	sadd.s32 $0x1000, s10;
	v2 =	vand.u32 $0xF, v2;
	v3 =	vand.u32 $0xF, v3;
	v4 =	vand.u32 $0xF, v4  }
.LBB2_12:
0xe: {  	s18 =	sadd.s32 $0x1, s18  }
0xf: {  	_ =	swait.ge [sflag:s17], $0x4000;
	p0 =	sne.s32 s18, s9  }
.Ltmp1:
0x10: {  	[sflag:s17] =	ssyncset.done $0x0;
	(pc) =	sbr.rel @!p0 .LBB2_13-.Ltmp1, $4  }
0x11: {  	[sflag:s17] =	ssyncadd.s32 $0xFFFFC000  }
0x12: {  	_ =	swait.ge [sflag:s15], $0x4000  }
0x13: {  	[sflag:s15] =	ssyncset.done $0x0  }
0x14: {  	[sflag:s15] =	ssyncadd.s32 $0xFFFFC000  }
.LBB2_1:
0x15: {  	[tilespmem:s1], [sflag:$0x1] =	stream.linear.gather [hbm4b:s4+s1], $0x4000, $0x38;
	[tilespmem:$0x10000] =	vst v63  }
0x16: {  	s19 =	simm.s32 $0x0  }
0x17: {  	[tilespmem:s11], [sflag:$0x2] =	stream.linear.gather [hbm4b:s5+s1], $0x4000, $0x38;
	[tilespmem:$0x10000] =	vst v63  }
.LBB2_2:
0x18: {  	s20 =	simm.s32 $0x0;
	s21 =	simm.s32 $0x0  }
0x19: {  	s20 =	sand.u32 $0x780, s20;
	v11 =	vmov s21  }
0x1a: {  	v12 =	vmov s20;
	v11 =	vshll.u32 v11, $0x7  }
0x1b: {  	v12 =	vshll.u32 v12, $0x3;
	v11 =	vand.u32 $0x380, v11  }
0x1c: {  	v11 =	vor.u32 v11, v12  }
0x1d: {  	v11 =	vbroadcast v11, $0x0  }
0x1e: {  	_ =	swait.ge [sflag:s12], $0x4000  }
0x1f: {  	p0 =	seq.s32 s19, $0x0;
	[sflag:s12] =	ssyncset.done $0x0;
	v29 =	vor.u32 v9, v11  }
0x20: {  	[sflag:s12] =	ssyncadd.s32 $0xFFFFC000;
	s20 =	simm.s32 @!p0 $0x3;
	v33 =	vor.u32 v10, v11  }
0x21: {  	_ =	swait.ge @!p0 [sflag:s20], $0x4000;
	v35 =	vor.u32 v0, v11  }
0x22: {  	[sflag:s20] =	ssyncset.done @!p0 $0x0;
	v16 =	vor.u32 v1, v11  }
0x23: {  	[sflag:s20] =	ssyncadd.s32 @!p0 $0xFFFFC000  }
0x24: {  	v14 =	vor.u32 v5, v11;
	v15 =	vld.idx.msk [tilespmem:v29+s1+$0x0], $0xffff  }
0x25: {  	v12 =	vor.u32 v6, v11;
	v17 =	vld.idx.msk [tilespmem:v33+s1+$0x0], $0xffff  }
0x26: {  	v36 =	vld.idx.msk [tilespmem:v35+s1+$0x0], $0xffff  }
0x27: {  	v13 =	vor.u32 v7, v11;
	v11 =	vor.u32 v8, v11;
	v38 =	vld.idx.msk [tilespmem:v16+s1+$0x0], $0xffff;
	_ =	sdelay $0x1  }
0x28: {  	v40 =	vld.idx.msk [tilespmem:v14+s1+$0x0], $0xffff  }
0x29: {  	v26 =	vld.idx.msk [tilespmem:v12+s1+$0x0], $0xffff  }
0x2a: {  	v18 =	vmul.f32 v15, v15;
	v19 =	vmul.f32 v17, v17  }
0x2b: {  	v28 =	vld.idx.msk [tilespmem:v11+s1+$0x0], $0xffff;
	v20 =	vmul.f32 v36, v36;
	v21 =	vmul.f32 v38, v38  }
0x2c: {  	v18 =	vadd.f32 v19, v18  }
0x2d: {  	s31 =	simm.s32 $0x0;
	v24 =	vmul.f32 v40, v40;
	v27 =	vadd.f32 v21, v20  }
0x2e: {  	v20 =	vmov s31;
	v21 =	vmul.f32 v26, v26;
	v22 =	vperm.xlane v18, v3  }
0x2f: {  	v20 =	vshll.u32 v20, $0x7;
	v23 =	vperm.xlane v18, v4;
	v25 =	vperm.xlane v18, v2  }
0x30: {  	s30 =	simm.s32 $0x80;
	v30 =	vmul.f32 v28, v28;
	v19 =	vld.idx.msk [tilespmem:v13+s1+$0x0], $0xffff;
	v20 =	vand.u32 $0x380, v20;
	v32 =	vadd.f32 v21, v24  }
0x31: {  	s20 =	sand.u32 $0x780, s30;
	vm0 =	vlt.f32 v22, v18;
	vm1 =	vlt.f32 v23, v18;
	vm2 =	vlt.f32 v25, v18  }
0x32: {  	v18 =	vmov s20;
	v41 =	vperm.xlane v32, v4;
	vm3 =	vmor vm0, vm1  }
0x33: {  	vm0 =	vmand vm0, vm1;
	v18 =	vshll.u32 v18, $0x3;
	vm2 =	vmand vm2, vm3  }
0x34: {  	v43 =	vperm.xlane v32, v2;
	v18 =	vor.u32 v20, v18;
	vm0 =	vmor vm0, vm2  }
0x35: {  	v22 =	vmul.f32 v19, v19;
	v34 =	vnsel vm0, $0x0, v15;
	v15 =	vbroadcast v18, $0x0  }
0x36: {  	v31 =	vperm.xlane v27, v3;
	vm4 =	vlt.f32 v41, v32  }
0x37: {  	vm8 =	vlt.f32 v43, v32;
	v39 =	vadd.f32 v30, v22;
	v24 =	vor.u32 v9, v15  }
0x38: {  	v22 =	vperm.xlane v27, v4;
	v30 =	vperm.xlane v27, v2;
	v23 =	vor.u32 v10, v15  }
0x39: {  	v37 =	vnsel vm0, $0x0, v17;
	vm0 =	vlt.f32 v31, v27;
	v17 =	vor.u32 v0, v15  }
0x3a: {  	v31 =	vperm.xlane v32, v3;
	v42 =	vperm.xlane v39, v3;
	v25 =	vor.u32 v1, v15  }
0x3b: {  	vm1 =	vlt.f32 v22, v27;
	vm2 =	vlt.f32 v30, v27;
	v20 =	vor.u32 v5, v15  }
0x3c: {  	v27 =	vperm.xlane v39, v4;
	v60 =	vperm.xlane v39, v2;
	v21 =	vor.u32 v6, v15;
	v30 =	vld.idx.msk [tilespmem:v24+s1+$0x0], $0xffff  }
0x3d: {  	v18 =	vor.u32 v7, v15;
	v15 =	vor.u32 v8, v15;
	vm3 =	vlt.f32 v31, v32;
	v31 =	vld.idx.msk [tilespmem:v23+s1+$0x0], $0xffff  }
0x3e: {  	vm7 =	vmor vm0, vm1;
	vm0 =	vmand vm0, vm1;
	vm5 =	vlt.f32 v42, v39;
	v22 =	vld.idx.msk [tilespmem:v17+s1+$0x0], $0xffff  }
0x3f: {  	vm6 =	vlt.f32 v27, v39;
	vm9 =	vmor vm3, vm4;
	vm10 =	vlt.f32 v60, v39;
	v27 =	vld.idx.msk [tilespmem:v25+s1+$0x0], $0xffff  }
0x40: {  	vm2 =	vmand vm2, vm7;
	vm1 =	vmand vm3, vm4;
	vm11 =	vmor vm5, vm6;
	v32 =	vld.idx.msk [tilespmem:v20+s1+$0x0], $0xffff  }
0x41: {  	[tilespmem:v29+s13+$0x0] =	vst.idx.msk $0xffff, v34;
	vm14 =	vmand vm8, vm9;
	vm3 =	vmand vm5, vm6;
	vm2 =	vmor vm0, vm2  }
0x42: {  	vm15 =	vmand vm10, vm11;
	v34 =	vld.idx.msk [tilespmem:v21+s1+$0x0], $0xffff;
	v29 =	vmul.f32 v30, v30;
	v61 =	vmul.f32 v31, v31  }
0x43: {  	vm1 =	vmor vm1, vm14;
	v39 =	vnsel vm2, $0x0, v38;
	v62 =	vmul.f32 v22, v22  }
0x44: {  	[tilespmem:v33+s13+$0x0] =	vst.idx.msk $0xffff, v37;
	v63 =	vmul.f32 v27, v27;
	v37 =	vadd.f32 v61, v29;
	v29 =	vnsel vm2, $0x0, v36  }
0x45: {  	vm0 =	vmor vm3, vm15;
	v38 =	vnsel vm1, $0x0, v40;
	v33 =	vld.idx.msk [tilespmem:v18+s1+$0x0], $0xffff;
	v36 =	vmul.f32 v32, v32;
	[tilespmem:v35+s13+$0x0] =	vst.idx.msk $0xffff, v29  }
0x46: {  	s22 =	simm.s32 $0x100;
	s21 =	simm.s32 $0x4;
	s20 =	sshll.u32 s19, $0x1;
	v29 =	vld.idx.msk [tilespmem:v15+s1+$0x0], $0xffff;
	v35 =	vadd.f32 v63, v62;
	v40 =	vperm.xlane v37, v3;
	v41 =	vperm.xlane v37, v4  }
.LBB2_3:
0x47: {  	s21 =	sadd.s32 $0x4, s21;
	s23 =	sand.u32 $0x780, s22;
	v42 =	vmul.f32 v34, v34;
	v43 =	vperm.xlane v37, v2;
	[tilespmem:v16+s13+$0x0] =	vst.idx.msk $0xffff, v39;
	v26 =	vnsel vm1, $0x0, v26  }
0x48: {  	v16 =	vmovc v25;
	s24 =	sshrl.u32 s21, $0x6;
	v39 =	vmov s23;
	vm1 =	vlt.f32 v40, v37;
	vm2 =	vlt.f32 v41, v37;
	[tilespmem:v14+s13+$0x0] =	vst.idx.msk $0xffff, v38  }
0x49: {  	p1 =	slt.u32 s21, $0x1FC;
	v14 =	vmovc v20;
	v25 =	vmov s24;
	vm3 =	vlt.f32 v43, v37;
	vm4 =	vmor vm1, vm2;
	[tilespmem:v12+s13+$0x0] =	vst.idx.msk $0xffff, v26;
	v12 =	vmovc v21  }
0x4a: {  	v38 =	vmovc v32;
	vm1 =	vmand vm1, vm2;
	v20 =	vshll.u32 v25, $0x7;
	vm3 =	vmand vm3, vm4;
	v26 =	vmovc v34  }
0x4b: {  	v21 =	vshll.u32 v39, $0x3;
	v20 =	vand.u32 $0x380, v20;
	vm1 =	vmor vm1, vm3  }
0x4c: {  	v32 =	vmul.f32 v33, v33;
	v20 =	vor.u32 v20, v21;
	v21 =	vnsel vm1, $0x0, v30  }
0x4d: {  	v34 =	vmul.f32 v29, v29;
	v30 =	vbroadcast v20, $0x0;
	[tilespmem:v24+s13+$0x0] =	vst.idx.msk $0xffff, v21;
	v20 =	vnsel vm1, $0x0, v31  }
0x4e: {  	v36 =	vadd.f32 v42, v36;
	v37 =	vnsel vm0, $0x0, v19;
	v31 =	vperm.xlane v35, v3;
	[tilespmem:v23+s13+$0x0] =	vst.idx.msk $0xffff, v20  }
0x4f: {  	v19 =	vmovc v33;
	v40 =	vor.u32 v0, v30;
	v25 =	vor.u32 v1, v30;
	v24 =	vor.u32 v9, v30  }
0x50: {  	v20 =	vor.u32 v5, v30;
	v21 =	vor.u32 v6, v30;
	v23 =	vor.u32 v10, v30  }
0x51: {  	v34 =	vadd.f32 v34, v32;
	v33 =	vor.u32 v7, v30;
	v39 =	vor.u32 v8, v30  }
0x52: {  	v32 =	vperm.xlane v36, v3;
	vm1 =	vlt.f32 v31, v35;
	v31 =	vperm.xlane v35, v4  }
0x53: {  	v41 =	vperm.xlane v36, v4;
	v42 =	vperm.xlane v34, v3;
	[tilespmem:v13+s13+$0x0] =	vst.idx.msk $0xffff, v37;
	v13 =	vnsel vm0, $0x0, v28  }
0x54: {  	v28 =	vperm.xlane v35, v2;
	vm0 =	vlt.f32 v31, v35;
	v37 =	vperm.xlane v34, v4;
	v30 =	vld.idx.msk [tilespmem:v24+s1+$0x0], $0xffff  }
0x55: {  	v43 =	vperm.xlane v36, v2;
	vm2 =	vlt.f32 v32, v36;
	v44 =	vperm.xlane v34, v2;
	v31 =	vld.idx.msk [tilespmem:v23+s1+$0x0], $0xffff  }
0x56: {  	vm3 =	vlt.f32 v41, v36;
	vm4 =	vlt.f32 v42, v34;
	vm5 =	vlt.f32 v37, v34;
	v45 =	vld.idx.msk [tilespmem:v40+s1+$0x0], $0xffff  }
0x57: {  	vm7 =	vmor vm2, vm3;
	vm6 =	vmor vm1, vm0;
	vm8 =	vmor vm4, vm5;
	v42 =	vld.idx.msk [tilespmem:v25+s1+$0x0], $0xffff;
	[tilespmem:v11+s13+$0x0] =	vst.idx.msk $0xffff, v13;
	v13 =	vmovc v18  }
0x58: {  	vm10 =	vlt.f32 v43, v36;
	vm11 =	vlt.f32 v44, v34;
	vm9 =	vlt.f32 v28, v35;
	v32 =	vld.idx.msk [tilespmem:v20+s1+$0x0], $0xffff  }
0x59: {  	vm7 =	vmand vm10, vm7;
	vm6 =	vmand vm9, vm6;
	vm8 =	vmand vm11, vm8;
	v18 =	vmovc v33;
	v11 =	vmovc v15;
	v34 =	vld.idx.msk [tilespmem:v21+s1+$0x0], $0xffff  }
0x5a: {  	vm0 =	vmand vm1, vm0;
	vm1 =	vmand vm2, vm3;
	vm2 =	vmand vm4, vm5;
	v15 =	vmovc v39;
	v28 =	vmovc v29;
	v33 =	vld.idx.msk [tilespmem:v33+s1+$0x0], $0xffff  }
.Ltmp2:
0x5b: {  	vm3 =	vmor vm0, vm6;
	v35 =	vmul.f32 v30, v30;
	v36 =	vmul.f32 v31, v31;
	v29 =	vld.idx.msk [tilespmem:v39+s1+$0x0], $0xffff;
	(pc) =	sbr.rel @p1 .LBB2_3-.Ltmp2, $4  }
0x5c: {  	vm1 =	vmor vm1, vm7;
	vm0 =	vmor vm2, vm8;
	v41 =	vmul.f32 v45, v45  }
0x5d: {  	v43 =	vmul.f32 v42, v42;
	v37 =	vadd.f32 v36, v35;
	v35 =	vnsel vm3, $0x0, v22;
	v22 =	vmovc v45  }
0x5e: {  	v38 =	vnsel vm1, $0x0, v38;
	v39 =	vnsel vm3, $0x0, v27;
	v36 =	vmul.f32 v32, v32;
	[tilespmem:v17+s13+$0x0] =	vst.idx.msk $0xffff, v35;
	v17 =	vmovc v40  }
0x5f: {  	s22 =	sadd.s32 $0x80, s22;
	v27 =	vmovc v42;
	v35 =	vadd.f32 v43, v41;
	v40 =	vperm.xlane v37, v3;
	v41 =	vperm.xlane v37, v4  }
0x60: {  	v42 =	vperm.xlane v37, v2;
	v47 =	vmul.f32 v34, v34  }
0x61: {  	v48 =	vmul.f32 v33, v33;
	v49 =	vmul.f32 v29, v29;
	v26 =	vnsel vm1, $0x0, v26  }
0x62: {  	v53 =	vnsel vm0, $0x0, v19;
	v58 =	vnsel vm0, $0x0, v28;
	vm2 =	vlt.f32 v40, v37  }
0x63: {  	vm3 =	vlt.f32 v41, v37;
	v51 =	vperm.xlane v35, v3;
	v54 =	vperm.xlane v35, v4  }
0x64: {  	v59 =	vperm.xlane v35, v2;
	vm4 =	vlt.f32 v42, v37;
	vm5 =	vmor vm2, vm3  }
0x65: {  	vm2 =	vmand vm2, vm3;
	v36 =	vadd.f32 v47, v36;
	v52 =	vadd.f32 v49, v48  }
0x66: {  	[tilespmem:v16+s13+$0x0] =	vst.idx.msk $0xffff, v39;
	vm4 =	vmand vm4, vm5;
	vm1 =	vlt.f32 v51, v35;
	vm12 =	vlt.f32 v54, v35  }
0x67: {  	vm7 =	vlt.f32 v59, v35;
	v55 =	vperm.xlane v36, v3;
	v56 =	vperm.xlane v36, v4  }
0x68: {  	[tilespmem:v14+s13+$0x0] =	vst.idx.msk $0xffff, v38;
	vm2 =	vmor vm2, vm4;
	v57 =	vperm.xlane v52, v3;
	v60 =	vperm.xlane v52, v4  }
0x69: {  	[tilespmem:v12+s13+$0x0] =	vst.idx.msk $0xffff, v26;
	v61 =	vperm.xlane v36, v2;
	v62 =	vperm.xlane v52, v2;
	vm6 =	vmor vm1, vm12  }
0x6a: {  	[tilespmem:v13+s13+$0x0] =	vst.idx.msk $0xffff, v53;
	vm0 =	vmand vm1, vm12;
	v30 =	vnsel vm2, $0x0, v30;
	v50 =	vnsel vm2, $0x0, v31  }
0x6b: {  	[tilespmem:v11+s13+$0x0] =	vst.idx.msk $0xffff, v58;
	vm6 =	vmand vm7, vm6;
	vm13 =	vlt.f32 v55, v36;
	vm14 =	vlt.f32 v56, v36  }
0x6c: {  	vm4 =	vlt.f32 v57, v52;
	vm15 =	vlt.f32 v60, v52;
	vm11 =	vlt.f32 v61, v36  }
0x6d: {  	[tilespmem:v24+s13+$0x0] =	vst.idx.msk $0xffff, v30;
	vm0 =	vmor vm0, vm6;
	vm8 =	vmor vm13, vm14;
	vm10 =	vmor vm4, vm15  }
0x6e: {  	[tilespmem:v23+s13+$0x0] =	vst.idx.msk $0xffff, v50;
	vm2 =	vmand vm13, vm14;
	v11 =	vnsel vm0, $0x0, v22;
	vm12 =	vmand vm11, vm8  }
0x6f: {  	vm13 =	vlt.f32 v62, v52;
	[tilespmem:v17+s13+$0x0] =	vst.idx.msk $0xffff, v11;
	v11 =	vnsel vm0, $0x0, v27;
	vm2 =	vmor vm2, vm12  }
0x70: {  	p1 =	sne.s32 s19, $0x7;
	vm15 =	vmand vm4, vm15;
	vm14 =	vmand vm13, vm10;
	[tilespmem:v25+s13+$0x0] =	vst.idx.msk $0xffff, v11;
	v63 =	vnsel vm2, $0x0, v32  }
.Ltmp3:
0x71: {  	vm0 =	vmor vm15, vm14;
	v11 =	vnsel vm2, $0x0, v34;
	[tilespmem:v20+s13+$0x0] =	vst.idx.msk $0xffff, v63;
	(pc) =	sbr.rel @p1 .LBB2_6-.Ltmp3, $4  }
0x72: {  	[tilespmem:v21+s13+$0x0] =	vst.idx.msk $0xffff, v11;
	v11 =	vnsel vm0, $0x0, v33  }
0x73: {  	s21 =	sshll.u32 s19, $0xC;
	[tilespmem:v18+s13+$0x0] =	vst.idx.msk $0xffff, v11;
	v11 =	vnsel vm0, $0x0, v29  }
0x74: {  	s22 =	sadd.s32 s21, s6;
	[tilespmem:v15+s13+$0x0] =	vst.idx.msk $0xffff, v11  }
0x75: {  	[hbm4b:s22+s1] =	stream.linear.scatter [tilespmem:s13], [sflag:$0x3], $0x4000, $0x38;
	[tilespmem:$0x10000] =	vst v63  }
.Ltmp4:
0x76: {  	(pc) =	sbr.rel .LBB2_7-.Ltmp4, $4  }
0x77: {  	_ = 	snop  }
0x78: {  	_ =	swait.ge [sflag:s14], $0x4000  }
0x79: {  	[sflag:s14] =	ssyncset.done $0x0  }
0x7a: {  	[sflag:s14] =	ssyncadd.s32 $0xFFFFC000  }
.LBB2_6:
0x7b: {  	s22 =	sadd.s32 s20, s7  }
0x7c: {  	s22 =	sshll.u32 s22, $0xB  }
0x7d: {  	s22 =	sand.u32 $0x1FFFF000, s22  }
.Ltmp5:
0x7e: {  	s22 =	sadd.s32 s0, s22;
	(pc) =	sbr.rel @p0 .LBB2_8-.Ltmp5, $4  }
0x7f: {  	[tilespmem:s1], [sflag:$0x1] =	stream.linear.gather [hbm4b:s22+s1], $0x4000, $0x38;
	[tilespmem:$0x10000] =	vst v63  }
0x80: {  	_ =	swait.ge [sflag:s14], $0x4000  }
0x81: {  	[sflag:s14] =	ssyncset.done $0x0  }
0x82: {  	[sflag:s14] =	ssyncadd.s32 $0xFFFFC000  }
.LBB2_7:
0x83: {  	_ =	swait.ge [sflag:s15], $0x4000  }
0x84: {  	[sflag:s15] =	ssyncset.done $0x0  }
0x85: {  	[sflag:s15] =	ssyncadd.s32 $0xFFFFC000  }
.LBB2_8:
0x86: {  	s22 =	simm.s32 $0x0;
	s23 =	simm.s32 $0x0  }
0x87: {  	s22 =	sand.u32 $0x780, s22;
	v11 =	vmov s23  }
0x88: {  	v12 =	vmov s22;
	v11 =	vshll.u32 v11, $0x7  }
0x89: {  	v12 =	vshll.u32 v12, $0x3;
	v11 =	vand.u32 $0x380, v11  }
0x8a: {  	v11 =	vor.u32 v11, v12  }
0x8b: {  	v11 =	vbroadcast v11, $0x0;
	_ =	sdelay $0x1  }
0x8c: {  	v29 =	vor.u32 v9, v11  }
0x8d: {  	v33 =	vor.u32 v10, v11  }
0x8e: {  	v35 =	vor.u32 v0, v11  }
0x8f: {  	v15 =	vor.u32 v1, v11;
	_ =	sdelay $0x1  }
0x90: {  	v14 =	vor.u32 v5, v11;
	v16 =	vld.idx.msk [tilespmem:v29+s11+$0x0], $0xffff  }
0x91: {  	v12 =	vor.u32 v6, v11;
	v17 =	vld.idx.msk [tilespmem:v33+s11+$0x0], $0xffff  }
0x92: {  	v36 =	vld.idx.msk [tilespmem:v35+s11+$0x0], $0xffff  }
0x93: {  	v13 =	vor.u32 v7, v11;
	v11 =	vor.u32 v8, v11;
	v38 =	vld.idx.msk [tilespmem:v15+s11+$0x0], $0xffff;
	_ =	sdelay $0x1  }
0x94: {  	v40 =	vld.idx.msk [tilespmem:v14+s11+$0x0], $0xffff  }
0x95: {  	v26 =	vld.idx.msk [tilespmem:v12+s11+$0x0], $0xffff  }
0x96: {  	v18 =	vmul.f32 v16, v16;
	v19 =	vmul.f32 v17, v17  }
0x97: {  	v28 =	vld.idx.msk [tilespmem:v11+s11+$0x0], $0xffff;
	v20 =	vmul.f32 v36, v36;
	v21 =	vmul.f32 v38, v38  }
0x98: {  	v18 =	vadd.f32 v19, v18  }
0x99: {  	s31 =	simm.s32 $0x0;
	v24 =	vmul.f32 v40, v40;
	v27 =	vadd.f32 v21, v20  }
0x9a: {  	v20 =	vmov s31;
	v21 =	vmul.f32 v26, v26;
	v22 =	vperm.xlane v18, v3  }
0x9b: {  	v20 =	vshll.u32 v20, $0x7;
	v23 =	vperm.xlane v18, v4;
	v25 =	vperm.xlane v18, v2  }
0x9c: {  	s30 =	simm.s32 $0x80;
	v30 =	vmul.f32 v28, v28;
	v19 =	vld.idx.msk [tilespmem:v13+s11+$0x0], $0xffff;
	v20 =	vand.u32 $0x380, v20;
	v32 =	vadd.f32 v21, v24  }
0x9d: {  	s22 =	sand.u32 $0x780, s30;
	vm0 =	vlt.f32 v22, v18;
	vm1 =	vlt.f32 v23, v18;
	vm2 =	vlt.f32 v25, v18  }
0x9e: {  	v18 =	vmov s22;
	v41 =	vperm.xlane v32, v4;
	vm3 =	vmor vm0, vm1  }
0x9f: {  	vm0 =	vmand vm0, vm1;
	v18 =	vshll.u32 v18, $0x3;
	vm2 =	vmand vm2, vm3  }
0xa0: {  	v43 =	vperm.xlane v32, v2;
	v18 =	vor.u32 v20, v18;
	vm0 =	vmor vm0, vm2  }
0xa1: {  	v22 =	vmul.f32 v19, v19;
	v34 =	vnsel vm0, $0x0, v16;
	v16 =	vbroadcast v18, $0x0  }
0xa2: {  	v31 =	vperm.xlane v27, v3;
	vm4 =	vlt.f32 v41, v32  }
0xa3: {  	vm8 =	vlt.f32 v43, v32;
	v39 =	vadd.f32 v30, v22;
	v24 =	vor.u32 v9, v16  }
0xa4: {  	v22 =	vperm.xlane v27, v4;
	v30 =	vperm.xlane v27, v2;
	v23 =	vor.u32 v10, v16  }
0xa5: {  	v37 =	vnsel vm0, $0x0, v17;
	vm0 =	vlt.f32 v31, v27;
	v17 =	vor.u32 v0, v16  }
0xa6: {  	v31 =	vperm.xlane v32, v3;
	v42 =	vperm.xlane v39, v3;
	v25 =	vor.u32 v1, v16  }
0xa7: {  	vm1 =	vlt.f32 v22, v27;
	vm2 =	vlt.f32 v30, v27;
	v20 =	vor.u32 v5, v16  }
0xa8: {  	v27 =	vperm.xlane v39, v4;
	v60 =	vperm.xlane v39, v2;
	v21 =	vor.u32 v6, v16;
	v30 =	vld.idx.msk [tilespmem:v24+s11+$0x0], $0xffff  }
0xa9: {  	v18 =	vor.u32 v7, v16;
	v16 =	vor.u32 v8, v16;
	vm3 =	vlt.f32 v31, v32;
	v31 =	vld.idx.msk [tilespmem:v23+s11+$0x0], $0xffff  }
0xaa: {  	vm7 =	vmor vm0, vm1;
	vm0 =	vmand vm0, vm1;
	vm5 =	vlt.f32 v42, v39;
	v22 =	vld.idx.msk [tilespmem:v17+s11+$0x0], $0xffff  }
0xab: {  	vm6 =	vlt.f32 v27, v39;
	vm9 =	vmor vm3, vm4;
	vm10 =	vlt.f32 v60, v39;
	v27 =	vld.idx.msk [tilespmem:v25+s11+$0x0], $0xffff  }
0xac: {  	vm2 =	vmand vm2, vm7;
	vm1 =	vmand vm3, vm4;
	vm11 =	vmor vm5, vm6;
	v32 =	vld.idx.msk [tilespmem:v20+s11+$0x0], $0xffff  }
0xad: {  	[tilespmem:v29+s16+$0x0] =	vst.idx.msk $0xffff, v34;
	vm14 =	vmand vm8, vm9;
	vm3 =	vmand vm5, vm6;
	vm2 =	vmor vm0, vm2  }
0xae: {  	vm15 =	vmand vm10, vm11;
	v34 =	vld.idx.msk [tilespmem:v21+s11+$0x0], $0xffff;
	v29 =	vmul.f32 v30, v30;
	v61 =	vmul.f32 v31, v31  }
0xaf: {  	vm1 =	vmor vm1, vm14;
	v39 =	vnsel vm2, $0x0, v38;
	v62 =	vmul.f32 v22, v22  }
0xb0: {  	[tilespmem:v33+s16+$0x0] =	vst.idx.msk $0xffff, v37;
	v63 =	vmul.f32 v27, v27;
	v37 =	vadd.f32 v61, v29;
	v29 =	vnsel vm2, $0x0, v36  }
0xb1: {  	vm0 =	vmor vm3, vm15;
	v38 =	vnsel vm1, $0x0, v40;
	v33 =	vld.idx.msk [tilespmem:v18+s11+$0x0], $0xffff;
	v36 =	vmul.f32 v32, v32;
	[tilespmem:v35+s16+$0x0] =	vst.idx.msk $0xffff, v29  }
0xb2: {  	s23 =	simm.s32 $0x100;
	s22 =	simm.s32 $0x4;
	v29 =	vld.idx.msk [tilespmem:v16+s11+$0x0], $0xffff;
	v35 =	vadd.f32 v63, v62;
	v40 =	vperm.xlane v37, v3;
	v41 =	vperm.xlane v37, v4  }
.LBB2_9:
0xb3: {  	s22 =	sadd.s32 $0x4, s22;
	s24 =	sand.u32 $0x780, s23;
	v42 =	vmul.f32 v34, v34;
	v43 =	vperm.xlane v37, v2;
	[tilespmem:v15+s16+$0x0] =	vst.idx.msk $0xffff, v39;
	v26 =	vnsel vm1, $0x0, v26  }
0xb4: {  	v15 =	vmovc v25;
	s25 =	sshrl.u32 s22, $0x6;
	v39 =	vmov s24;
	vm1 =	vlt.f32 v40, v37;
	vm2 =	vlt.f32 v41, v37;
	[tilespmem:v14+s16+$0x0] =	vst.idx.msk $0xffff, v38  }
0xb5: {  	p0 =	slt.u32 s22, $0x1FC;
	v14 =	vmovc v20;
	v25 =	vmov s25;
	vm3 =	vlt.f32 v43, v37;
	vm4 =	vmor vm1, vm2;
	[tilespmem:v12+s16+$0x0] =	vst.idx.msk $0xffff, v26;
	v12 =	vmovc v21  }
0xb6: {  	v38 =	vmovc v32;
	vm1 =	vmand vm1, vm2;
	v20 =	vshll.u32 v25, $0x7;
	vm3 =	vmand vm3, vm4;
	v26 =	vmovc v34  }
0xb7: {  	v21 =	vshll.u32 v39, $0x3;
	v20 =	vand.u32 $0x380, v20;
	vm1 =	vmor vm1, vm3  }
0xb8: {  	v32 =	vmul.f32 v33, v33;
	v20 =	vor.u32 v20, v21;
	v21 =	vnsel vm1, $0x0, v30  }
0xb9: {  	v34 =	vmul.f32 v29, v29;
	v30 =	vbroadcast v20, $0x0;
	[tilespmem:v24+s16+$0x0] =	vst.idx.msk $0xffff, v21;
	v20 =	vnsel vm1, $0x0, v31  }
0xba: {  	v36 =	vadd.f32 v42, v36;
	v37 =	vnsel vm0, $0x0, v19;
	v31 =	vperm.xlane v35, v3;
	[tilespmem:v23+s16+$0x0] =	vst.idx.msk $0xffff, v20  }
0xbb: {  	v19 =	vmovc v33;
	v40 =	vor.u32 v0, v30;
	v25 =	vor.u32 v1, v30;
	v24 =	vor.u32 v9, v30  }
0xbc: {  	v20 =	vor.u32 v5, v30;
	v21 =	vor.u32 v6, v30;
	v23 =	vor.u32 v10, v30  }
0xbd: {  	v34 =	vadd.f32 v34, v32;
	v33 =	vor.u32 v7, v30;
	v39 =	vor.u32 v8, v30  }
0xbe: {  	v32 =	vperm.xlane v36, v3;
	vm1 =	vlt.f32 v31, v35;
	v31 =	vperm.xlane v35, v4  }
0xbf: {  	v41 =	vperm.xlane v36, v4;
	v42 =	vperm.xlane v34, v3;
	[tilespmem:v13+s16+$0x0] =	vst.idx.msk $0xffff, v37;
	v13 =	vnsel vm0, $0x0, v28  }
0xc0: {  	v28 =	vperm.xlane v35, v2;
	vm0 =	vlt.f32 v31, v35;
	v37 =	vperm.xlane v34, v4;
	v30 =	vld.idx.msk [tilespmem:v24+s11+$0x0], $0xffff  }
0xc1: {  	v43 =	vperm.xlane v36, v2;
	vm2 =	vlt.f32 v32, v36;
	v44 =	vperm.xlane v34, v2;
	v31 =	vld.idx.msk [tilespmem:v23+s11+$0x0], $0xffff  }
0xc2: {  	vm3 =	vlt.f32 v41, v36;
	vm4 =	vlt.f32 v42, v34;
	vm5 =	vlt.f32 v37, v34;
	v45 =	vld.idx.msk [tilespmem:v40+s11+$0x0], $0xffff  }
0xc3: {  	vm7 =	vmor vm2, vm3;
	vm6 =	vmor vm1, vm0;
	vm8 =	vmor vm4, vm5;
	v42 =	vld.idx.msk [tilespmem:v25+s11+$0x0], $0xffff;
	[tilespmem:v11+s16+$0x0] =	vst.idx.msk $0xffff, v13;
	v13 =	vmovc v18  }
0xc4: {  	vm10 =	vlt.f32 v43, v36;
	vm11 =	vlt.f32 v44, v34;
	vm9 =	vlt.f32 v28, v35;
	v32 =	vld.idx.msk [tilespmem:v20+s11+$0x0], $0xffff  }
0xc5: {  	vm7 =	vmand vm10, vm7;
	vm6 =	vmand vm9, vm6;
	vm8 =	vmand vm11, vm8;
	v18 =	vmovc v33;
	v11 =	vmovc v16;
	v34 =	vld.idx.msk [tilespmem:v21+s11+$0x0], $0xffff  }
0xc6: {  	vm0 =	vmand vm1, vm0;
	vm1 =	vmand vm2, vm3;
	vm2 =	vmand vm4, vm5;
	v16 =	vmovc v39;
	v28 =	vmovc v29;
	v33 =	vld.idx.msk [tilespmem:v33+s11+$0x0], $0xffff  }
.Ltmp6:
0xc7: {  	vm3 =	vmor vm0, vm6;
	v35 =	vmul.f32 v30, v30;
	v36 =	vmul.f32 v31, v31;
	v29 =	vld.idx.msk [tilespmem:v39+s11+$0x0], $0xffff;
	(pc) =	sbr.rel @p0 .LBB2_9-.Ltmp6, $4  }
0xc8: {  	vm1 =	vmor vm1, vm7;
	vm0 =	vmor vm2, vm8;
	v41 =	vmul.f32 v45, v45  }
0xc9: {  	v43 =	vmul.f32 v42, v42;
	v37 =	vadd.f32 v36, v35;
	v35 =	vnsel vm3, $0x0, v22;
	v22 =	vmovc v45  }
0xca: {  	v38 =	vnsel vm1, $0x0, v38;
	v39 =	vnsel vm3, $0x0, v27;
	v36 =	vmul.f32 v32, v32;
	[tilespmem:v17+s16+$0x0] =	vst.idx.msk $0xffff, v35;
	v17 =	vmovc v40  }
0xcb: {  	s23 =	sadd.s32 $0x80, s23;
	v27 =	vmovc v42;
	v35 =	vadd.f32 v43, v41;
	v40 =	vperm.xlane v37, v3;
	v41 =	vperm.xlane v37, v4  }
0xcc: {  	v42 =	vperm.xlane v37, v2;
	v47 =	vmul.f32 v34, v34  }
0xcd: {  	v48 =	vmul.f32 v33, v33;
	v49 =	vmul.f32 v29, v29;
	v26 =	vnsel vm1, $0x0, v26  }
0xce: {  	v53 =	vnsel vm0, $0x0, v19;
	v58 =	vnsel vm0, $0x0, v28;
	vm2 =	vlt.f32 v40, v37  }
0xcf: {  	vm3 =	vlt.f32 v41, v37;
	v51 =	vperm.xlane v35, v3;
	v54 =	vperm.xlane v35, v4  }
0xd0: {  	v59 =	vperm.xlane v35, v2;
	vm4 =	vlt.f32 v42, v37;
	vm5 =	vmor vm2, vm3  }
0xd1: {  	vm2 =	vmand vm2, vm3;
	v36 =	vadd.f32 v47, v36;
	v52 =	vadd.f32 v49, v48  }
0xd2: {  	[tilespmem:v15+s16+$0x0] =	vst.idx.msk $0xffff, v39;
	vm4 =	vmand vm4, vm5;
	vm1 =	vlt.f32 v51, v35;
	vm12 =	vlt.f32 v54, v35  }
0xd3: {  	vm7 =	vlt.f32 v59, v35;
	v55 =	vperm.xlane v36, v3;
	v56 =	vperm.xlane v36, v4  }
0xd4: {  	[tilespmem:v14+s16+$0x0] =	vst.idx.msk $0xffff, v38;
	vm2 =	vmor vm2, vm4;
	v57 =	vperm.xlane v52, v3;
	v60 =	vperm.xlane v52, v4  }
0xd5: {  	[tilespmem:v12+s16+$0x0] =	vst.idx.msk $0xffff, v26;
	v61 =	vperm.xlane v36, v2;
	v62 =	vperm.xlane v52, v2;
	vm6 =	vmor vm1, vm12  }
0xd6: {  	[tilespmem:v13+s16+$0x0] =	vst.idx.msk $0xffff, v53;
	vm0 =	vmand vm1, vm12;
	v30 =	vnsel vm2, $0x0, v30;
	v50 =	vnsel vm2, $0x0, v31  }
0xd7: {  	[tilespmem:v11+s16+$0x0] =	vst.idx.msk $0xffff, v58;
	vm6 =	vmand vm7, vm6;
	vm13 =	vlt.f32 v55, v36;
	vm14 =	vlt.f32 v56, v36  }
0xd8: {  	vm4 =	vlt.f32 v57, v52;
	vm15 =	vlt.f32 v60, v52;
	vm11 =	vlt.f32 v61, v36  }
0xd9: {  	[tilespmem:v24+s16+$0x0] =	vst.idx.msk $0xffff, v30;
	vm0 =	vmor vm0, vm6;
	vm8 =	vmor vm13, vm14;
	vm10 =	vmor vm4, vm15  }
0xda: {  	[tilespmem:v23+s16+$0x0] =	vst.idx.msk $0xffff, v50;
	vm2 =	vmand vm13, vm14;
	v11 =	vnsel vm0, $0x0, v22;
	vm12 =	vmand vm11, vm8  }
0xdb: {  	vm13 =	vlt.f32 v62, v52;
	[tilespmem:v17+s16+$0x0] =	vst.idx.msk $0xffff, v11;
	v11 =	vnsel vm0, $0x0, v27;
	vm2 =	vmor vm2, vm12  }
0xdc: {  	p0 =	seq.s32 s19, $0x7;
	vm15 =	vmand vm4, vm15;
	vm14 =	vmand vm13, vm10;
	[tilespmem:v25+s16+$0x0] =	vst.idx.msk $0xffff, v11;
	v63 =	vnsel vm2, $0x0, v32  }
.Ltmp7:
0xdd: {  	vm0 =	vmor vm15, vm14;
	v11 =	vnsel vm2, $0x0, v34;
	[tilespmem:v20+s16+$0x0] =	vst.idx.msk $0xffff, v63;
	(pc) =	sbr.rel @p0 .LBB2_12-.Ltmp7, $4  }
0xde: {  	[tilespmem:v21+s16+$0x0] =	vst.idx.msk $0xffff, v11;
	v11 =	vnsel vm0, $0x0, v33  }
0xdf: {  	[tilespmem:v18+s16+$0x0] =	vst.idx.msk $0xffff, v11;
	v11 =	vnsel vm0, $0x0, v29  }
0xe0: {  	s21 =	sadd.s32 s10, s21;
	[tilespmem:v16+s16+$0x0] =	vst.idx.msk $0xffff, v11  }
0xe1: {  	[hbm4b:s21+s1] =	stream.linear.scatter [tilespmem:s16], [sflag:$0x4], $0x4000, $0x38;
	[tilespmem:$0x10000] =	vst v63  }
.Ltmp8:
0xe2: {  	(pc) =	sbr.rel .LBB2_2-.Ltmp8, $4  }
0xe3: {  	s20 =	sadd.s32 s20, s8  }
0xe4: {  	s20 =	sshll.u32 s20, $0xB  }
0xe5: {  	s19 =	sadd.s32 $0x1, s19;
	s20 =	sadd.s32 s0, s20  }
0xe6: {  	[tilespmem:s11], [sflag:$0x2] =	stream.linear.gather [hbm4b:s20+s1], $0x4000, $0x38;
	[tilespmem:$0x10000] =	vst v63  }
.LBB2_13:
0xe7: {  	_ =	sfence.sel $0x180000  }
0xe8: {  	[bflag:$0x0] =	sbarrier.arrive $0xFFFF  }
0xe9: {  	p0 =	sne.s32 s2, $0x0;
	_ =	strace $0x90000047  }
0xea: {  	s0 =	sadd.s32 @!p0 $0x100000, s3;
	[bflag:$0x2] =	sbarrier.arrive $0xFFFF  }
0xeb: {  	[sflag:s0] =	ssyncadd.tile.s32 @!p0 $0x1;
	_ =	shalt  }
.Lfunc_end2:
_tile_overlayer_lowered:
.L_overlay_start_2:
0xec: {  	(tag) =	ssettag $0x2  }
0xed: {  	s0 =	rddreg [dreg:$0x0];
	s2 =	stileid.u32  }
0xee: {  	s1 =	rddreg [dreg:$0x1];
	p0 =	sne.s32 s2, $0x0  }
0xef: {  	s3 =	rddreg [dreg:$0x2];
	[bflag:$0x3] =	sbarrier.arrive $0xFFFF;
	s2 =	simm.s32 @!p0 $0x1C05  }
0xf0: {  	[timem:s3], [sflag:s2] =	dma.local @!p0 [hbm:s0], s1  }
0xf1: {  	s0 =	simm.s32 @!p0 $0x5  }
0xf2: {  	_ =	swait.ge @!p0 [sflag:s0], s1  }
0xf3: {  	s1 =	ssub.s32 @!p0 $0x0, s1;
	[sflag:s0] =	ssyncset.done @!p0 $0x0  }
0xf4: {  	[sflag:s0] =	ssyncadd.s32 @!p0 s1  }
0xf5: {  	[bflag:$0x3] =	sbarrier.arrive $0xFFFF  }
0xf6: {  	_ =	shalt  }

</sc_bundles>
